<compile_context>
chip_gen: v7x
topology: tpu7x:2x2x1
jax: 0.10.2.dev20260603
libtpu: 0.0.44.dev20260713+nightly
codegen_flags: <defaults>
</compile_context>

<pallas_src>
import jax
import jax.numpy as jnp
from jax import lax
from jax.experimental import pallas as pl
from jax.experimental.pallas import tpu as pltpu
from jax.experimental.pallas import tpu_sc as plsc

B = 16384
EMB = 128
NC = 2
NS = 16
NW = NC * NS
BPW = B // NW
CH = 128
NCH = BPW // CH
GRP = CH // 16


def _mf_body(uid_hbm, iid_hbm, w_hbm, h_hbm, out_hbm,
             uid_v, iid_v, wb0, wb1, hb0, hb1, out_v,
             sw0, sw1, sh0, sh1, sidx, swb, shb):
    wid = lax.axis_index("s") * NC + lax.axis_index("c")
    base = wid * BPW

    cu = pltpu.async_copy(uid_hbm.at[pl.ds(base, BPW)], uid_v, sidx)
    ci = pltpu.async_copy(iid_hbm.at[pl.ds(base, BPW)], iid_v, sidx)
    cu.wait()
    ci.wait()

    wbufs = (wb0, wb1)
    hbufs = (hb0, hb1)
    wsems = (sw0, sw1)
    hsems = (sh0, sh1)

    def start(c):
        slot = c % 2
        cw = pltpu.async_copy(
            w_hbm.at[uid_v.at[pl.ds(c * CH, CH)]], wbufs[slot], wsems[slot])
        chh = pltpu.async_copy(
            h_hbm.at[iid_v.at[pl.ds(c * CH, CH)]], hbufs[slot], hsems[slot])
        return cw, chh

    lane = lax.iota(jnp.int32, 16)
    butterfly_perms = [lane ^ s for s in (8, 4, 2, 1)]
    gmode = "promise_in_bounds"

    HF = 64

    def start_half(off, n, wsem, hsem):
        rows = pl.ds(off, n)
        cw = pltpu.async_copy(w_hbm.at[uid_v.at[rows]], wb0.at[rows], wsem)
        chh = pltpu.async_copy(h_hbm.at[iid_v.at[rows]], hb0.at[rows], hsem)
        return cw, chh

    half_a = start_half(0, HF, sw0, sh0)
    half_b = start_half(HF, CH - HF, swb, shb)
    out_copies = []
    inflight = {1: start(1)}
    halves = {0: (half_a, half_b)}
    for c in range(NCH):
        if c >= 1 and c + 1 < NCH:
            inflight[c + 1] = start(c + 1)
        if c in halves:
            for h in halves[c][0]:
                h.wait()
        else:
            for h in inflight.pop(c):
                h.wait()
        slot = c % 2
        wref = wbufs[slot]
        href = hbufs[slot]

        def group_body(g, _, wref=wref, href=href, c=c):
            row0 = g * 16

            def row_body(r, res):
                row = row0 + r
                ps = []
                for j in range(EMB // 16):
                    w = wref[row, pl.ds(j * 16, 16)]
                    h = href[row, pl.ds(j * 16, 16)]
                    ps.append(w * h)
                while len(ps) > 1:
                    ps = [a + b for a, b in zip(ps[0::2], ps[1::2])]
                acc = ps[0]
                for perm in butterfly_perms:
                    acc = acc + acc.at[perm].get(mode=gmode)
                return jnp.where(lane == r, acc, res)

            res = lax.fori_loop(0, 16, row_body, jnp.zeros((16,), jnp.float32))
            pred = 1.0 / (1.0 + jnp.exp(-res))
            out_v[pl.ds(c * CH + row0, 16)] = pred
            return 0

        if c in halves:
            lax.fori_loop(0, HF // 16, group_body, 0)
            for h in halves[c][1]:
                h.wait()
            lax.fori_loop(HF // 16, GRP, group_body, 0)
        else:
            lax.fori_loop(0, GRP, group_body, 0)

        out_copies.append(pltpu.async_copy(
            out_v.at[pl.ds(c * CH, CH)],
            out_hbm.at[pl.ds(base + c * CH, CH)], sidx))

    for oc in out_copies:
        oc.wait()


@jax.jit
def kernel(x, W, H):
    uidx = x[:, 0]
    iidx = x[:, 1]
    mesh = plsc.VectorSubcoreMesh(core_axis_name="c", subcore_axis_name="s")
    f = pl.kernel(
        _mf_body,
        out_type=jax.ShapeDtypeStruct((B,), jnp.float32),
        mesh=mesh,
        scratch_types=[
            pltpu.VMEM((BPW,), jnp.int32),
            pltpu.VMEM((BPW,), jnp.int32),
            pltpu.VMEM((CH, EMB), jnp.float32),
            pltpu.VMEM((CH, EMB), jnp.float32),
            pltpu.VMEM((CH, EMB), jnp.float32),
            pltpu.VMEM((CH, EMB), jnp.float32),
            pltpu.VMEM((BPW,), jnp.float32),
            pltpu.SemaphoreType.DMA,
            pltpu.SemaphoreType.DMA,
            pltpu.SemaphoreType.DMA,
            pltpu.SemaphoreType.DMA,
            pltpu.SemaphoreType.DMA,
            pltpu.SemaphoreType.DMA,
            pltpu.SemaphoreType.DMA,
        ],
    )
    return f(uidx, iidx, W, H)

# --- scband reference (transcript-rebuilt; emitter-appended) ---
"""Pipeline reference for scband-mf-stable-dr-9637906612425 (READ-ONLY COPY).

The authoritative reference and input builder live on the scoring server;
editing this copy changes nothing except your own understanding.
"""

import jax, jax.numpy as jnp
import numpy as np

NUM_USERS = 100000
NUM_ITEMS = 100000
EMB_K = 128
BATCH = 16384

def setup_inputs(seed: int = 0) -> dict:
    key = jax.random.key(seed)
    k1, k2, k3 = jax.random.split(key, 3)
    x = jax.random.randint(k1, (BATCH, 2), 0, NUM_USERS, dtype=jnp.int64 if jax.config.read('jax_enable_x64') else jnp.int32)
    x = x.astype(jnp.int32)
    W = jax.random.normal(k2, (NUM_USERS, EMB_K), dtype=jnp.float32)
    H = jax.random.normal(k3, (NUM_ITEMS, EMB_K), dtype=jnp.float32)
    return {"x": x, "W": W, "H": H}

def reference(x, W, H):
    # MF_Stable_DR.predict: sigmoid(prediction_model.forward(x))
    user_idx = x[:, 0]
    item_idx = x[:, 1]
    U_emb = jnp.take(W, user_idx, axis=0)
    V_emb = jnp.take(H, item_idx, axis=0)
    out = jnp.sum(U_emb * V_emb, axis=1)
    pred = jax.nn.sigmoid(out)
    return pred

if __name__ == "__main__":
    import jax
    _d = setup_inputs()
    print(jax.jit(kernel)(*tuple(_d.values())))

</pallas_src>

<mosaic_0001>
#map = affine_map<(d0, d1) -> (0)>
#map1 = affine_map<(d0, d1) -> (0, 0)>
module attributes {stable_mosaic.version = 14 : i64} {
  func.func @_mf_body(%arg0: i32, %arg1: i32, %arg2: memref<16384xi32, #tpu.memory_space<hbm>>, %arg3: memref<16384xi32, #tpu.memory_space<hbm>>, %arg4: memref<100000x128xf32, #tpu.memory_space<hbm>>, %arg5: memref<100000x128xf32, #tpu.memory_space<hbm>>, %arg6: memref<16384xf32, #tpu.memory_space<hbm>>, %arg7: memref<512xi32, #tpu.memory_space<vmem>>, %arg8: memref<512xi32, #tpu.memory_space<vmem>>, %arg9: memref<128x128xf32, #tpu.memory_space<vmem>>, %arg10: memref<128x128xf32, #tpu.memory_space<vmem>>, %arg11: memref<128x128xf32, #tpu.memory_space<vmem>>, %arg12: memref<128x128xf32, #tpu.memory_space<vmem>>, %arg13: memref<512xf32, #tpu.memory_space<vmem>>, %arg14: memref<!tpu.dma_semaphore, #tpu.memory_space<semaphore_mem>>, %arg15: memref<!tpu.dma_semaphore, #tpu.memory_space<semaphore_mem>>, %arg16: memref<!tpu.dma_semaphore, #tpu.memory_space<semaphore_mem>>, %arg17: memref<!tpu.dma_semaphore, #tpu.memory_space<semaphore_mem>>, %arg18: memref<!tpu.dma_semaphore, #tpu.memory_space<semaphore_mem>>, %arg19: memref<!tpu.dma_semaphore, #tpu.memory_space<semaphore_mem>>, %arg20: memref<!tpu.dma_semaphore, #tpu.memory_space<semaphore_mem>>) attributes {dimension_semantics = [#tpu.dimension_semantics<core_parallel>, #tpu.dimension_semantics<subcore_parallel>], iteration_bounds = array<i64: 2, 16>, scalar_prefetch = 0 : i64, scratch_operands = 14 : i64, tpu.core_type = #tpu.core_type<sc_vector_subcore>, window_params = [{transform_indices = #map}, {transform_indices = #map}, {transform_indices = #map1}, {transform_indices = #map1}, {transform_indices = #map}]} {
    %mul3A = arith.constant 2 : i32
    %mul3A_0 = arith.muli %arg1, %mul3A : i32
    %add3A = arith.addi %mul3A_0, %arg0 : i32
    %mul3A_1 = arith.constant 512 : i32
    %mul3A_2 = arith.muli %add3A, %mul3A_1 : i32
    %dma_start3A = tpu.memref_slice %arg2[%mul3A_2] : memref<16384xi32, #tpu.memory_space<hbm>> -> memref<512xi32, #tpu.memory_space<hbm>>
    %dma_start3A_3 = tpu.memref_slice %arg2[%mul3A_2] : memref<16384xi32, #tpu.memory_space<hbm>> -> memref<512xi32, #tpu.memory_space<hbm>>
    tpu.enqueue_dma source(%dma_start3A_3 : memref<512xi32, #tpu.memory_space<hbm>>) target(%arg7 : memref<512xi32, #tpu.memory_space<vmem>>) target_semaphore(%arg18 : memref<!tpu.dma_semaphore, #tpu.memory_space<semaphore_mem>>)
    %dma_start3A_4 = tpu.memref_slice %arg3[%mul3A_2] : memref<16384xi32, #tpu.memory_space<hbm>> -> memref<512xi32, #tpu.memory_space<hbm>>
    %dma_start3A_5 = tpu.memref_slice %arg3[%mul3A_2] : memref<16384xi32, #tpu.memory_space<hbm>> -> memref<512xi32, #tpu.memory_space<hbm>>
    tpu.enqueue_dma source(%dma_start3A_5 : memref<512xi32, #tpu.memory_space<hbm>>) target(%arg8 : memref<512xi32, #tpu.memory_space<vmem>>) target_semaphore(%arg18 : memref<!tpu.dma_semaphore, #tpu.memory_space<semaphore_mem>>)
    %dma_wait3A = tpu.memref_slice %arg2[%mul3A_2] : memref<16384xi32, #tpu.memory_space<hbm>> -> memref<512xi32, #tpu.memory_space<hbm>>
    %dma_wait3A_6 = tpu.memref_slice %arg2[%mul3A_2] : memref<16384xi32, #tpu.memory_space<hbm>> -> memref<512xi32, #tpu.memory_space<hbm>>
    tpu.wait_dma2 semaphore(%arg18 : memref<!tpu.dma_semaphore, #tpu.memory_space<semaphore_mem>>) src(%dma_wait3A_6 : memref<512xi32, #tpu.memory_space<hbm>>) dst(%arg7 : memref<512xi32, #tpu.memory_space<vmem>>)
    %dma_wait3A_7 = tpu.memref_slice %arg3[%mul3A_2] : memref<16384xi32, #tpu.memory_space<hbm>> -> memref<512xi32, #tpu.memory_space<hbm>>
    %dma_wait3A_8 = tpu.memref_slice %arg3[%mul3A_2] : memref<16384xi32, #tpu.memory_space<hbm>> -> memref<512xi32, #tpu.memory_space<hbm>>
    tpu.wait_dma2 semaphore(%arg18 : memref<!tpu.dma_semaphore, #tpu.memory_space<semaphore_mem>>) src(%dma_wait3A_8 : memref<512xi32, #tpu.memory_space<hbm>>) dst(%arg8 : memref<512xi32, #tpu.memory_space<vmem>>)
    %iota3A = tpu.iota {dimensions = array<i32: 0>} : vector<16xi32>
    %xor3A = arith.constant 8 : i32
    %xor3A_9 = vector.broadcast %xor3A : i32 to vector<16xi32>
    %xor3A_10 = arith.xori %iota3A, %xor3A_9 : vector<16xi32>
    %xor3A_11 = arith.constant 4 : i32
    %xor3A_12 = vector.broadcast %xor3A_11 : i32 to vector<16xi32>
    %xor3A_13 = arith.xori %iota3A, %xor3A_12 : vector<16xi32>
    %xor3A_14 = arith.constant 2 : i32
    %xor3A_15 = vector.broadcast %xor3A_14 : i32 to vector<16xi32>
    %xor3A_16 = arith.xori %iota3A, %xor3A_15 : vector<16xi32>
    %xor3A_17 = arith.constant 1 : i32
    %xor3A_18 = vector.broadcast %xor3A_17 : i32 to vector<16xi32>
    %xor3A_19 = arith.xori %iota3A, %xor3A_18 : vector<16xi32>
    %dma_start3A_20 = arith.constant 0 : i32
    %dma_start3A_21 = arith.constant 0 : i32
    %dma_start3A_22 = tpu.memref_slice %arg9[%dma_start3A_20, %dma_start3A_21] : memref<128x128xf32, #tpu.memory_space<vmem>> -> memref<64x128xf32, #tpu.memory_space<vmem>>
    %dma_start3A_23 = arith.constant 0 : i32
    %dma_start3A_24 = tpu.memref_slice %arg7[%dma_start3A_23] : memref<512xi32, #tpu.memory_space<vmem>> -> memref<64xi32, #tpu.memory_space<vmem>>
    %dma_start3A_25 = arith.constant 0 : i32
    %dma_start3A_26 = arith.constant 0 : i32
    %dma_start3A_27 = tpu.memref_slice %arg4[%dma_start3A_25, %dma_start3A_26] : memref<100000x128xf32, #tpu.memory_space<hbm>> -> memref<100000x128xf32, #tpu.memory_space<hbm>>
    tpu.enqueue_indirect_dma source(%dma_start3A_27 : memref<100000x128xf32, #tpu.memory_space<hbm>>) target(%dma_start3A_22 : memref<64x128xf32, #tpu.memory_space<vmem>>) offsets(%dma_start3A_24 : memref<64xi32, #tpu.memory_space<vmem>>) semaphore(%arg14 : memref<!tpu.dma_semaphore, #tpu.memory_space<semaphore_mem>>)
    %dma_start3A_28 = arith.constant 0 : i32
    %dma_start3A_29 = arith.constant 0 : i32
    %dma_start3A_30 = tpu.memref_slice %arg11[%dma_start3A_28, %dma_start3A_29] : memref<128x128xf32, #tpu.memory_space<vmem>> -> memref<64x128xf32, #tpu.memory_space<vmem>>
    %dma_start3A_31 = arith.constant 0 : i32
    %dma_start3A_32 = tpu.memref_slice %arg8[%dma_start3A_31] : memref<512xi32, #tpu.memory_space<vmem>> -> memref<64xi32, #tpu.memory_space<vmem>>
    %dma_start3A_33 = arith.constant 0 : i32
    %dma_start3A_34 = arith.constant 0 : i32
    %dma_start3A_35 = tpu.memref_slice %arg5[%dma_start3A_33, %dma_start3A_34] : memref<100000x128xf32, #tpu.memory_space<hbm>> -> memref<100000x128xf32, #tpu.memory_space<hbm>>
    tpu.enqueue_indirect_dma source(%dma_start3A_35 : memref<100000x128xf32, #tpu.memory_space<hbm>>) target(%dma_start3A_30 : memref<64x128xf32, #tpu.memory_space<vmem>>) offsets(%dma_start3A_32 : memref<64xi32, #tpu.memory_space<vmem>>) semaphore(%arg16 : memref<!tpu.dma_semaphore, #tpu.memory_space<semaphore_mem>>)
    %dma_start3A_36 = arith.constant 64 : i32
    %dma_start3A_37 = arith.constant 0 : i32
    %dma_start3A_38 = tpu.memref_slice %arg9[%dma_start3A_36, %dma_start3A_37] : memref<128x128xf32, #tpu.memory_space<vmem>> -> memref<64x128xf32, #tpu.memory_space<vmem>>
    %dma_start3A_39 = arith.constant 64 : i32
    %dma_start3A_40 = tpu.memref_slice %arg7[%dma_start3A_39] : memref<512xi32, #tpu.memory_space<vmem>> -> memref<64xi32, #tpu.memory_space<vmem>>
    %dma_start3A_41 = arith.constant 0 : i32
    %dma_start3A_42 = arith.constant 0 : i32
    %dma_start3A_43 = tpu.memref_slice %arg4[%dma_start3A_41, %dma_start3A_42] : memref<100000x128xf32, #tpu.memory_space<hbm>> -> memref<100000x128xf32, #tpu.memory_space<hbm>>
    tpu.enqueue_indirect_dma source(%dma_start3A_43 : memref<100000x128xf32, #tpu.memory_space<hbm>>) target(%dma_start3A_38 : memref<64x128xf32, #tpu.memory_space<vmem>>) offsets(%dma_start3A_40 : memref<64xi32, #tpu.memory_space<vmem>>) semaphore(%arg19 : memref<!tpu.dma_semaphore, #tpu.memory_space<semaphore_mem>>)
    %dma_start3A_44 = arith.constant 64 : i32
    %dma_start3A_45 = arith.constant 0 : i32
    %dma_start3A_46 = tpu.memref_slice %arg11[%dma_start3A_44, %dma_start3A_45] : memref<128x128xf32, #tpu.memory_space<vmem>> -> memref<64x128xf32, #tpu.memory_space<vmem>>
    %dma_start3A_47 = arith.constant 64 : i32
    %dma_start3A_48 = tpu.memref_slice %arg8[%dma_start3A_47] : memref<512xi32, #tpu.memory_space<vmem>> -> memref<64xi32, #tpu.memory_space<vmem>>
    %dma_start3A_49 = arith.constant 0 : i32
    %dma_start3A_50 = arith.constant 0 : i32
    %dma_start3A_51 = tpu.memref_slice %arg5[%dma_start3A_49, %dma_start3A_50] : memref<100000x128xf32, #tpu.memory_space<hbm>> -> memref<100000x128xf32, #tpu.memory_space<hbm>>
    tpu.enqueue_indirect_dma source(%dma_start3A_51 : memref<100000x128xf32, #tpu.memory_space<hbm>>) target(%dma_start3A_46 : memref<64x128xf32, #tpu.memory_space<vmem>>) offsets(%dma_start3A_48 : memref<64xi32, #tpu.memory_space<vmem>>) semaphore(%arg20 : memref<!tpu.dma_semaphore, #tpu.memory_space<semaphore_mem>>)
    %dma_start3A_52 = arith.constant 128 : i32
    %dma_start3A_53 = tpu.memref_slice %arg7[%dma_start3A_52] : memref<512xi32, #tpu.memory_space<vmem>> -> memref<128xi32, #tpu.memory_space<vmem>>
    %dma_start3A_54 = arith.constant 0 : i32
    %dma_start3A_55 = arith.constant 0 : i32
    %dma_start3A_56 = tpu.memref_slice %arg4[%dma_start3A_54, %dma_start3A_55] : memref<100000x128xf32, #tpu.memory_space<hbm>> -> memref<100000x128xf32, #tpu.memory_space<hbm>>
    tpu.enqueue_indirect_dma source(%dma_start3A_56 : memref<100000x128xf32, #tpu.memory_space<hbm>>) target(%arg10 : memref<128x128xf32, #tpu.memory_space<vmem>>) offsets(%dma_start3A_53 : memref<128xi32, #tpu.memory_space<vmem>>) semaphore(%arg15 : memref<!tpu.dma_semaphore, #tpu.memory_space<semaphore_mem>>)
    %dma_start3A_57 = arith.constant 128 : i32
    %dma_start3A_58 = tpu.memref_slice %arg8[%dma_start3A_57] : memref<512xi32, #tpu.memory_space<vmem>> -> memref<128xi32, #tpu.memory_space<vmem>>
    %dma_start3A_59 = arith.constant 0 : i32
    %dma_start3A_60 = arith.constant 0 : i32
    %dma_start3A_61 = tpu.memref_slice %arg5[%dma_start3A_59, %dma_start3A_60] : memref<100000x128xf32, #tpu.memory_space<hbm>> -> memref<100000x128xf32, #tpu.memory_space<hbm>>
    tpu.enqueue_indirect_dma source(%dma_start3A_61 : memref<100000x128xf32, #tpu.memory_space<hbm>>) target(%arg12 : memref<128x128xf32, #tpu.memory_space<vmem>>) offsets(%dma_start3A_58 : memref<128xi32, #tpu.memory_space<vmem>>) semaphore(%arg17 : memref<!tpu.dma_semaphore, #tpu.memory_space<semaphore_mem>>)
    %dma_wait3A_62 = arith.constant 0 : i32
    %dma_wait3A_63 = arith.constant 0 : i32
    %dma_wait3A_64 = tpu.memref_slice %arg9[%dma_wait3A_62, %dma_wait3A_63] : memref<128x128xf32, #tpu.memory_space<vmem>> -> memref<64x128xf32, #tpu.memory_space<vmem>>
    %dma_wait3A_65 = arith.constant 0 : i32
    %dma_wait3A_66 = tpu.memref_slice %arg7[%dma_wait3A_65] : memref<512xi32, #tpu.memory_space<vmem>> -> memref<64xi32, #tpu.memory_space<vmem>>
    %dma_wait3A_67 = arith.constant 0 : i32
    %dma_wait3A_68 = arith.constant 0 : i32
    %dma_wait3A_69 = tpu.memref_slice %arg4[%dma_wait3A_67, %dma_wait3A_68] : memref<100000x128xf32, #tpu.memory_space<hbm>> -> memref<100000x128xf32, #tpu.memory_space<hbm>>
    tpu.wait_indirect_dma semaphore(%arg14 : memref<!tpu.dma_semaphore, #tpu.memory_space<semaphore_mem>>) src(%dma_wait3A_69 : memref<100000x128xf32, #tpu.memory_space<hbm>>) dst(%dma_wait3A_64 : memref<64x128xf32, #tpu.memory_space<vmem>>)
    %dma_wait3A_70 = arith.constant 0 : i32
    %dma_wait3A_71 = arith.constant 0 : i32
    %dma_wait3A_72 = tpu.memref_slice %arg11[%dma_wait3A_70, %dma_wait3A_71] : memref<128x128xf32, #tpu.memory_space<vmem>> -> memref<64x128xf32, #tpu.memory_space<vmem>>
    %dma_wait3A_73 = arith.constant 0 : i32
    %dma_wait3A_74 = tpu.memref_slice %arg8[%dma_wait3A_73] : memref<512xi32, #tpu.memory_space<vmem>> -> memref<64xi32, #tpu.memory_space<vmem>>
    %dma_wait3A_75 = arith.constant 0 : i32
    %dma_wait3A_76 = arith.constant 0 : i32
    %dma_wait3A_77 = tpu.memref_slice %arg5[%dma_wait3A_75, %dma_wait3A_76] : memref<100000x128xf32, #tpu.memory_space<hbm>> -> memref<100000x128xf32, #tpu.memory_space<hbm>>
    tpu.wait_indirect_dma semaphore(%arg16 : memref<!tpu.dma_semaphore, #tpu.memory_space<semaphore_mem>>) src(%dma_wait3A_77 : memref<100000x128xf32, #tpu.memory_space<hbm>>) dst(%dma_wait3A_72 : memref<64x128xf32, #tpu.memory_space<vmem>>)
    %scan3A = arith.constant 0 : i32
    %scan3A_78 = arith.constant 0 : i32
    %scan3A_79 = arith.constant 4 : i32
    %scan3A_80 = arith.addi %scan3A_78, %scan3A_79 : i32
    %scan3A_81 = arith.constant 1 : i32
    %scan3A_82 = scf.for %scan3A_234 = %scan3A_78 to %scan3A_80 step %scan3A_81 iter_args(%scan3A_235 = %scan3A) -> (i32)  : i32 {
      %mul3A_236 = arith.constant 16 : i32
      %mul3A_237 = arith.muli %scan3A_234, %mul3A_236 : i32
      %broadcast_in_dim3A = arith.constant 0.000000e+00 : f32
      %broadcast_in_dim3A_238 = vector.broadcast %broadcast_in_dim3A : f32 to vector<16xf32>
      %scan3A_239 = arith.constant 0 : i32
      %scan3A_240 = arith.constant 16 : i32
      %scan3A_241 = arith.addi %scan3A_239, %scan3A_240 : i32
      %scan3A_242 = arith.constant 1 : i32
      %scan3A_243 = scf.for %scan3A_258 = %scan3A_239 to %scan3A_241 step %scan3A_242 iter_args(%scan3A_259 = %broadcast_in_dim3A_238) -> (vector<16xf32>)  : i32 {
        %add3A_260 = arith.addi %mul3A_237, %scan3A_258 : i32
        %get3A = arith.index_cast %add3A_260 : i32 to index
        %get3A_261 = arith.constant 0 : index
        %get3A_262 = tpu.vector_load %arg9[%get3A, %get3A_261] {strides = array<i32>} : memref<128x128xf32, #tpu.memory_space<vmem>>, vector<1x16xf32>,
        %get3A_263 = vector.shape_cast %get3A_262 : vector<1x16xf32> to vector<16xf32>
        %get3A_264 = arith.index_cast %add3A_260 : i32 to index
        %get3A_265 = arith.constant 0 : index
        %get3A_266 = tpu.vector_load %arg11[%get3A_264, %get3A_265] {strides = array<i32>} : memref<128x128xf32, #tpu.memory_space<vmem>>, vector<1x16xf32>,
        %get3A_267 = vector.shape_cast %get3A_266 : vector<1x16xf32> to vector<16xf32>
        %mul3A_268 = arith.mulf %get3A_263, %get3A_267 : vector<16xf32>
        %get3A_269 = arith.index_cast %add3A_260 : i32 to index
        %get3A_270 = arith.constant 16 : index
        %get3A_271 = tpu.vector_load %arg9[%get3A_269, %get3A_270] {strides = array<i32>} : memref<128x128xf32, #tpu.memory_space<vmem>>, vector<1x16xf32>,
        %get3A_272 = vector.shape_cast %get3A_271 : vector<1x16xf32> to vector<16xf32>
        %get3A_273 = arith.index_cast %add3A_260 : i32 to index
        %get3A_274 = arith.constant 16 : index
        %get3A_275 = tpu.vector_load %arg11[%get3A_273, %get3A_274] {strides = array<i32>} : memref<128x128xf32, #tpu.memory_space<vmem>>, vector<1x16xf32>,
        %get3A_276 = vector.shape_cast %get3A_275 : vector<1x16xf32> to vector<16xf32>
        %mul3A_277 = arith.mulf %get3A_272, %get3A_276 : vector<16xf32>
        %get3A_278 = arith.index_cast %add3A_260 : i32 to index
        %get3A_279 = arith.constant 32 : index
        %get3A_280 = tpu.vector_load %arg9[%get3A_278, %get3A_279] {strides = array<i32>} : memref<128x128xf32, #tpu.memory_space<vmem>>, vector<1x16xf32>,
        %get3A_281 = vector.shape_cast %get3A_280 : vector<1x16xf32> to vector<16xf32>
        %get3A_282 = arith.index_cast %add3A_260 : i32 to index
        %get3A_283 = arith.constant 32 : index
        %get3A_284 = tpu.vector_load %arg11[%get3A_282, %get3A_283] {strides = array<i32>} : memref<128x128xf32, #tpu.memory_space<vmem>>, vector<1x16xf32>,
        %get3A_285 = vector.shape_cast %get3A_284 : vector<1x16xf32> to vector<16xf32>
        %mul3A_286 = arith.mulf %get3A_281, %get3A_285 : vector<16xf32>
        %get3A_287 = arith.index_cast %add3A_260 : i32 to index
        %get3A_288 = arith.constant 48 : index
        %get3A_289 = tpu.vector_load %arg9[%get3A_287, %get3A_288] {strides = array<i32>} : memref<128x128xf32, #tpu.memory_space<vmem>>, vector<1x16xf32>,
        %get3A_290 = vector.shape_cast %get3A_289 : vector<1x16xf32> to vector<16xf32>
        %get3A_291 = arith.index_cast %add3A_260 : i32 to index
        %get3A_292 = arith.constant 48 : index
        %get3A_293 = tpu.vector_load %arg11[%get3A_291, %get3A_292] {strides = array<i32>} : memref<128x128xf32, #tpu.memory_space<vmem>>, vector<1x16xf32>,
        %get3A_294 = vector.shape_cast %get3A_293 : vector<1x16xf32> to vector<16xf32>
        %mul3A_295 = arith.mulf %get3A_290, %get3A_294 : vector<16xf32>
        %get3A_296 = arith.index_cast %add3A_260 : i32 to index
        %get3A_297 = arith.constant 64 : index
        %get3A_298 = tpu.vector_load %arg9[%get3A_296, %get3A_297] {strides = array<i32>} : memref<128x128xf32, #tpu.memory_space<vmem>>, vector<1x16xf32>,
        %get3A_299 = vector.shape_cast %get3A_298 : vector<1x16xf32> to vector<16xf32>
        %get3A_300 = arith.index_cast %add3A_260 : i32 to index
        %get3A_301 = arith.constant 64 : index
        %get3A_302 = tpu.vector_load %arg11[%get3A_300, %get3A_301] {strides = array<i32>} : memref<128x128xf32, #tpu.memory_space<vmem>>, vector<1x16xf32>,
        %get3A_303 = vector.shape_cast %get3A_302 : vector<1x16xf32> to vector<16xf32>
        %mul3A_304 = arith.mulf %get3A_299, %get3A_303 : vector<16xf32>
        %get3A_305 = arith.index_cast %add3A_260 : i32 to index
        %get3A_306 = arith.constant 80 : index
        %get3A_307 = tpu.vector_load %arg9[%get3A_305, %get3A_306] {strides = array<i32>} : memref<128x128xf32, #tpu.memory_space<vmem>>, vector<1x16xf32>,
        %get3A_308 = vector.shape_cast %get3A_307 : vector<1x16xf32> to vector<16xf32>
        %get3A_309 = arith.index_cast %add3A_260 : i32 to index
        %get3A_310 = arith.constant 80 : index
        %get3A_311 = tpu.vector_load %arg11[%get3A_309, %get3A_310] {strides = array<i32>} : memref<128x128xf32, #tpu.memory_space<vmem>>, vector<1x16xf32>,
        %get3A_312 = vector.shape_cast %get3A_311 : vector<1x16xf32> to vector<16xf32>
        %mul3A_313 = arith.mulf %get3A_308, %get3A_312 : vector<16xf32>
        %get3A_314 = arith.index_cast %add3A_260 : i32 to index
        %get3A_315 = arith.constant 96 : index
        %get3A_316 = tpu.vector_load %arg9[%get3A_314, %get3A_315] {strides = array<i32>} : memref<128x128xf32, #tpu.memory_space<vmem>>, vector<1x16xf32>,
        %get3A_317 = vector.shape_cast %get3A_316 : vector<1x16xf32> to vector<16xf32>
        %get3A_318 = arith.index_cast %add3A_260 : i32 to index
        %get3A_319 = arith.constant 96 : index
        %get3A_320 = tpu.vector_load %arg11[%get3A_318, %get3A_319] {strides = array<i32>} : memref<128x128xf32, #tpu.memory_space<vmem>>, vector<1x16xf32>,
        %get3A_321 = vector.shape_cast %get3A_320 : vector<1x16xf32> to vector<16xf32>
        %mul3A_322 = arith.mulf %get3A_317, %get3A_321 : vector<16xf32>
        %get3A_323 = arith.index_cast %add3A_260 : i32 to index
        %get3A_324 = arith.constant 112 : index
        %get3A_325 = tpu.vector_load %arg9[%get3A_323, %get3A_324] {strides = array<i32>} : memref<128x128xf32, #tpu.memory_space<vmem>>, vector<1x16xf32>,
        %get3A_326 = vector.shape_cast %get3A_325 : vector<1x16xf32> to vector<16xf32>
        %get3A_327 = arith.index_cast %add3A_260 : i32 to index
        %get3A_328 = arith.constant 112 : index
        %get3A_329 = tpu.vector_load %arg11[%get3A_327, %get3A_328] {strides = array<i32>} : memref<128x128xf32, #tpu.memory_space<vmem>>, vector<1x16xf32>,
        %get3A_330 = vector.shape_cast %get3A_329 : vector<1x16xf32> to vector<16xf32>
        %mul3A_331 = arith.mulf %get3A_326, %get3A_330 : vector<16xf32>
        %add3A_332 = arith.addf %mul3A_268, %mul3A_277 : vector<16xf32>
        %add3A_333 = arith.addf %mul3A_286, %mul3A_295 : vector<16xf32>
        %add3A_334 = arith.addf %mul3A_304, %mul3A_313 : vector<16xf32>
        %add3A_335 = arith.addf %mul3A_322, %mul3A_331 : vector<16xf32>
        %add3A_336 = arith.addf %add3A_332, %add3A_333 : vector<16xf32>
        %add3A_337 = arith.addf %add3A_334, %add3A_335 : vector<16xf32>
        %add3A_338 = arith.addf %add3A_336, %add3A_337 : vector<16xf32>
        %lt3A = arith.constant 0 : i32
        %lt3A_339 = vector.broadcast %lt3A : i32 to vector<16xi32>
        %lt3A_340 = arith.cmpi slt, %xor3A_10, %lt3A_339 : vector<16xi32>
        %add3A_341 = arith.constant 16 : i32
        %add3A_342 = vector.broadcast %add3A_341 : i32 to vector<16xi32>
        %add3A_343 = arith.addi %xor3A_10, %add3A_342 : vector<16xi32>
        %select_n3A = arith.select %lt3A_340, %add3A_343, %xor3A_10 : vector<16xi1>, vector<16xi32>
        %broadcast_in_dim3A_344 = vector.shape_cast %select_n3A : vector<16xi32> to vector<16x1xi32>
        %gather3A = vector.shape_cast %broadcast_in_dim3A_344 : vector<16x1xi32> to vector<16xi32>
        %gather3A_345 = tpu.dynamic_gather %add3A_338[%gather3A] in [0] : vector<16xf32>, vector<16xi32> -> vector<16xf32>
        %add3A_346 = arith.addf %add3A_338, %gather3A_345 : vector<16xf32>
        %lt3A_347 = arith.constant 0 : i32
        %lt3A_348 = vector.broadcast %lt3A_347 : i32 to vector<16xi32>
        %lt3A_349 = arith.cmpi slt, %xor3A_13, %lt3A_348 : vector<16xi32>
        %add3A_350 = arith.constant 16 : i32
        %add3A_351 = vector.broadcast %add3A_350 : i32 to vector<16xi32>
        %add3A_352 = arith.addi %xor3A_13, %add3A_351 : vector<16xi32>
        %select_n3A_353 = arith.select %lt3A_349, %add3A_352, %xor3A_13 : vector<16xi1>, vector<16xi32>
        %broadcast_in_dim3A_354 = vector.shape_cast %select_n3A_353 : vector<16xi32> to vector<16x1xi32>
        %gather3A_355 = vector.shape_cast %broadcast_in_dim3A_354 : vector<16x1xi32> to vector<16xi32>
        %gather3A_356 = tpu.dynamic_gather %add3A_346[%gather3A_355] in [0] : vector<16xf32>, vector<16xi32> -> vector<16xf32>
        %add3A_357 = arith.addf %add3A_346, %gather3A_356 : vector<16xf32>
        %lt3A_358 = arith.constant 0 : i32
        %lt3A_359 = vector.broadcast %lt3A_358 : i32 to vector<16xi32>
        %lt3A_360 = arith.cmpi slt, %xor3A_16, %lt3A_359 : vector<16xi32>
        %add3A_361 = arith.constant 16 : i32
        %add3A_362 = vector.broadcast %add3A_361 : i32 to vector<16xi32>
        %add3A_363 = arith.addi %xor3A_16, %add3A_362 : vector<16xi32>
        %select_n3A_364 = arith.select %lt3A_360, %add3A_363, %xor3A_16 : vector<16xi1>, vector<16xi32>
        %broadcast_in_dim3A_365 = vector.shape_cast %select_n3A_364 : vector<16xi32> to vector<16x1xi32>
        %gather3A_366 = vector.shape_cast %broadcast_in_dim3A_365 : vector<16x1xi32> to vector<16xi32>
        %gather3A_367 = tpu.dynamic_gather %add3A_357[%gather3A_366] in [0] : vector<16xf32>, vector<16xi32> -> vector<16xf32>
        %add3A_368 = arith.addf %add3A_357, %gather3A_367 : vector<16xf32>
        %lt3A_369 = arith.constant 0 : i32
        %lt3A_370 = vector.broadcast %lt3A_369 : i32 to vector<16xi32>
        %lt3A_371 = arith.cmpi slt, %xor3A_19, %lt3A_370 : vector<16xi32>
        %add3A_372 = arith.constant 16 : i32
        %add3A_373 = vector.broadcast %add3A_372 : i32 to vector<16xi32>
        %add3A_374 = arith.addi %xor3A_19, %add3A_373 : vector<16xi32>
        %select_n3A_375 = arith.select %lt3A_371, %add3A_374, %xor3A_19 : vector<16xi1>, vector<16xi32>
        %broadcast_in_dim3A_376 = vector.shape_cast %select_n3A_375 : vector<16xi32> to vector<16x1xi32>
        %gather3A_377 = vector.shape_cast %broadcast_in_dim3A_376 : vector<16x1xi32> to vector<16xi32>
        %gather3A_378 = tpu.dynamic_gather %add3A_368[%gather3A_377] in [0] : vector<16xf32>, vector<16xi32> -> vector<16xf32>
        %add3A_379 = arith.addf %add3A_368, %gather3A_378 : vector<16xf32>
        %eq3A = vector.broadcast %scan3A_258 : i32 to vector<16xi32>
        %eq3A_380 = arith.cmpi eq, %iota3A, %eq3A : vector<16xi32>
        %select_n3A_381 = arith.select %eq3A_380, %add3A_379, %scan3A_259 : vector<16xi1>, vector<16xf32>
        scf.yield %select_n3A_381 : vector<16xf32>
      }
      %scan3A_244 = arith.constant 16 : i32
      %neg3A = arith.constant 0.000000e+00 : f32
      %neg3A_245 = vector.broadcast %neg3A : f32 to vector<16xf32>
      %neg3A_246 = arith.subf %neg3A_245, %scan3A_243 : vector<16xf32>
      %exp3A = math.exp %neg3A_246 : vector<16xf32>
      %add3A_247 = arith.constant 1.000000e+00 : f32
      %add3A_248 = vector.broadcast %add3A_247 : f32 to vector<16xf32>
      %add3A_249 = arith.addf %add3A_248, %exp3A : vector<16xf32>
      %div3A = arith.constant 1.000000e+00 : f32
      %div3A_250 = vector.broadcast %div3A : f32 to vector<16xf32>
      %div3A_251 = arith.divf %div3A_250, %add3A_249 : vector<16xf32>
      %add3A_252 = arith.constant 0 : i32
      %add3A_253 = arith.addi %add3A_252, %mul3A_237 : i32
      %swap3A = arith.index_cast %add3A_253 : i32 to index
      %swap3A_254 = tpu.vector_load %arg13[%swap3A] {strides = array<i32>} : memref<512xf32, #tpu.memory_space<vmem>>, vector<16xf32>,
      %swap3A_255 = vector.shape_cast %swap3A_254 : vector<16xf32> to vector<16xf32>
      %swap3A_256 = vector.shape_cast %div3A_251 : vector<16xf32> to vector<16xf32>
      tpu.vector_store %arg13[%swap3A], %swap3A_256 {strides = array<i32>} : memref<512xf32, #tpu.memory_space<vmem>>, vector<16xf32>,
      %scan3A_257 = arith.constant 0 : i32
      scf.yield %scan3A_257 : i32
    }
    %scan3A_83 = arith.constant 4 : i32
    %dma_wait3A_84 = arith.constant 64 : i32
    %dma_wait3A_85 = arith.constant 0 : i32
    %dma_wait3A_86 = tpu.memref_slice %arg9[%dma_wait3A_84, %dma_wait3A_85] : memref<128x128xf32, #tpu.memory_space<vmem>> -> memref<64x128xf32, #tpu.memory_space<vmem>>
    %dma_wait3A_87 = arith.constant 64 : i32
    %dma_wait3A_88 = tpu.memref_slice %arg7[%dma_wait3A_87] : memref<512xi32, #tpu.memory_space<vmem>> -> memref<64xi32, #tpu.memory_space<vmem>>
    %dma_wait3A_89 = arith.constant 0 : i32
    %dma_wait3A_90 = arith.constant 0 : i32
    %dma_wait3A_91 = tpu.memref_slice %arg4[%dma_wait3A_89, %dma_wait3A_90] : memref<100000x128xf32, #tpu.memory_space<hbm>> -> memref<100000x128xf32, #tpu.memory_space<hbm>>
    tpu.wait_indirect_dma semaphore(%arg19 : memref<!tpu.dma_semaphore, #tpu.memory_space<semaphore_mem>>) src(%dma_wait3A_91 : memref<100000x128xf32, #tpu.memory_space<hbm>>) dst(%dma_wait3A_86 : memref<64x128xf32, #tpu.memory_space<vmem>>)
    %dma_wait3A_92 = arith.constant 64 : i32
    %dma_wait3A_93 = arith.constant 0 : i32
    %dma_wait3A_94 = tpu.memref_slice %arg11[%dma_wait3A_92, %dma_wait3A_93] : memref<128x128xf32, #tpu.memory_space<vmem>> -> memref<64x128xf32, #tpu.memory_space<vmem>>
    %dma_wait3A_95 = arith.constant 64 : i32
    %dma_wait3A_96 = tpu.memref_slice %arg8[%dma_wait3A_95] : memref<512xi32, #tpu.memory_space<vmem>> -> memref<64xi32, #tpu.memory_space<vmem>>
    %dma_wait3A_97 = arith.constant 0 : i32
    %dma_wait3A_98 = arith.constant 0 : i32
    %dma_wait3A_99 = tpu.memref_slice %arg5[%dma_wait3A_97, %dma_wait3A_98] : memref<100000x128xf32, #tpu.memory_space<hbm>> -> memref<100000x128xf32, #tpu.memory_space<hbm>>
    tpu.wait_indirect_dma semaphore(%arg20 : memref<!tpu.dma_semaphore, #tpu.memory_space<semaphore_mem>>) src(%dma_wait3A_99 : memref<100000x128xf32, #tpu.memory_space<hbm>>) dst(%dma_wait3A_94 : memref<64x128xf32, #tpu.memory_space<vmem>>)
    %scan3A_100 = arith.constant 0 : i32
    %scan3A_101 = arith.constant 4 : i32
    %scan3A_102 = arith.constant 4 : i32
    %scan3A_103 = arith.addi %scan3A_101, %scan3A_102 : i32
    %scan3A_104 = arith.constant 1 : i32
    %scan3A_105 = scf.for %scan3A_234 = %scan3A_101 to %scan3A_103 step %scan3A_104 iter_args(%scan3A_235 = %scan3A_100) -> (i32)  : i32 {
      %mul3A_236 = arith.constant 16 : i32
      %mul3A_237 = arith.muli %scan3A_234, %mul3A_236 : i32
      %broadcast_in_dim3A = arith.constant 0.000000e+00 : f32
      %broadcast_in_dim3A_238 = vector.broadcast %broadcast_in_dim3A : f32 to vector<16xf32>
      %scan3A_239 = arith.constant 0 : i32
      %scan3A_240 = arith.constant 16 : i32
      %scan3A_241 = arith.addi %scan3A_239, %scan3A_240 : i32
      %scan3A_242 = arith.constant 1 : i32
      %scan3A_243 = scf.for %scan3A_258 = %scan3A_239 to %scan3A_241 step %scan3A_242 iter_args(%scan3A_259 = %broadcast_in_dim3A_238) -> (vector<16xf32>)  : i32 {
        %add3A_260 = arith.addi %mul3A_237, %scan3A_258 : i32
        %get3A = arith.index_cast %add3A_260 : i32 to index
        %get3A_261 = arith.constant 0 : index
        %get3A_262 = tpu.vector_load %arg9[%get3A, %get3A_261] {strides = array<i32>} : memref<128x128xf32, #tpu.memory_space<vmem>>, vector<1x16xf32>,
        %get3A_263 = vector.shape_cast %get3A_262 : vector<1x16xf32> to vector<16xf32>
        %get3A_264 = arith.index_cast %add3A_260 : i32 to index
        %get3A_265 = arith.constant 0 : index
        %get3A_266 = tpu.vector_load %arg11[%get3A_264, %get3A_265] {strides = array<i32>} : memref<128x128xf32, #tpu.memory_space<vmem>>, vector<1x16xf32>,
        %get3A_267 = vector.shape_cast %get3A_266 : vector<1x16xf32> to vector<16xf32>
        %mul3A_268 = arith.mulf %get3A_263, %get3A_267 : vector<16xf32>
        %get3A_269 = arith.index_cast %add3A_260 : i32 to index
        %get3A_270 = arith.constant 16 : index
        %get3A_271 = tpu.vector_load %arg9[%get3A_269, %get3A_270] {strides = array<i32>} : memref<128x128xf32, #tpu.memory_space<vmem>>, vector<1x16xf32>,
        %get3A_272 = vector.shape_cast %get3A_271 : vector<1x16xf32> to vector<16xf32>
        %get3A_273 = arith.index_cast %add3A_260 : i32 to index
        %get3A_274 = arith.constant 16 : index
        %get3A_275 = tpu.vector_load %arg11[%get3A_273, %get3A_274] {strides = array<i32>} : memref<128x128xf32, #tpu.memory_space<vmem>>, vector<1x16xf32>,
        %get3A_276 = vector.shape_cast %get3A_275 : vector<1x16xf32> to vector<16xf32>
        %mul3A_277 = arith.mulf %get3A_272, %get3A_276 : vector<16xf32>
        %get3A_278 = arith.index_cast %add3A_260 : i32 to index
        %get3A_279 = arith.constant 32 : index
        %get3A_280 = tpu.vector_load %arg9[%get3A_278, %get3A_279] {strides = array<i32>} : memref<128x128xf32, #tpu.memory_space<vmem>>, vector<1x16xf32>,
        %get3A_281 = vector.shape_cast %get3A_280 : vector<1x16xf32> to vector<16xf32>
        %get3A_282 = arith.index_cast %add3A_260 : i32 to index
        %get3A_283 = arith.constant 32 : index
        %get3A_284 = tpu.vector_load %arg11[%get3A_282, %get3A_283] {strides = array<i32>} : memref<128x128xf32, #tpu.memory_space<vmem>>, vector<1x16xf32>,
        %get3A_285 = vector.shape_cast %get3A_284 : vector<1x16xf32> to vector<16xf32>
        %mul3A_286 = arith.mulf %get3A_281, %get3A_285 : vector<16xf32>
        %get3A_287 = arith.index_cast %add3A_260 : i32 to index
        %get3A_288 = arith.constant 48 : index
        %get3A_289 = tpu.vector_load %arg9[%get3A_287, %get3A_288] {strides = array<i32>} : memref<128x128xf32, #tpu.memory_space<vmem>>, vector<1x16xf32>,
        %get3A_290 = vector.shape_cast %get3A_289 : vector<1x16xf32> to vector<16xf32>
        %get3A_291 = arith.index_cast %add3A_260 : i32 to index
        %get3A_292 = arith.constant 48 : index
        %get3A_293 = tpu.vector_load %arg11[%get3A_291, %get3A_292] {strides = array<i32>} : memref<128x128xf32, #tpu.memory_space<vmem>>, vector<1x16xf32>,
        %get3A_294 = vector.shape_cast %get3A_293 : vector<1x16xf32> to vector<16xf32>
        %mul3A_295 = arith.mulf %get3A_290, %get3A_294 : vector<16xf32>
        %get3A_296 = arith.index_cast %add3A_260 : i32 to index
        %get3A_297 = arith.constant 64 : index
        %get3A_298 = tpu.vector_load %arg9[%get3A_296, %get3A_297] {strides = array<i32>} : memref<128x128xf32, #tpu.memory_space<vmem>>, vector<1x16xf32>,
        %get3A_299 = vector.shape_cast %get3A_298 : vector<1x16xf32> to vector<16xf32>
        %get3A_300 = arith.index_cast %add3A_260 : i32 to index
        %get3A_301 = arith.constant 64 : index
        %get3A_302 = tpu.vector_load %arg11[%get3A_300, %get3A_301] {strides = array<i32>} : memref<128x128xf32, #tpu.memory_space<vmem>>, vector<1x16xf32>,
        %get3A_303 = vector.shape_cast %get3A_302 : vector<1x16xf32> to vector<16xf32>
        %mul3A_304 = arith.mulf %get3A_299, %get3A_303 : vector<16xf32>
        %get3A_305 = arith.index_cast %add3A_260 : i32 to index
        %get3A_306 = arith.constant 80 : index
        %get3A_307 = tpu.vector_load %arg9[%get3A_305, %get3A_306] {strides = array<i32>} : memref<128x128xf32, #tpu.memory_space<vmem>>, vector<1x16xf32>,
        %get3A_308 = vector.shape_cast %get3A_307 : vector<1x16xf32> to vector<16xf32>
        %get3A_309 = arith.index_cast %add3A_260 : i32 to index
        %get3A_310 = arith.constant 80 : index
        %get3A_311 = tpu.vector_load %arg11[%get3A_309, %get3A_310] {strides = array<i32>} : memref<128x128xf32, #tpu.memory_space<vmem>>, vector<1x16xf32>,
        %get3A_312 = vector.shape_cast %get3A_311 : vector<1x16xf32> to vector<16xf32>
        %mul3A_313 = arith.mulf %get3A_308, %get3A_312 : vector<16xf32>
        %get3A_314 = arith.index_cast %add3A_260 : i32 to index
        %get3A_315 = arith.constant 96 : index
        %get3A_316 = tpu.vector_load %arg9[%get3A_314, %get3A_315] {strides = array<i32>} : memref<128x128xf32, #tpu.memory_space<vmem>>, vector<1x16xf32>,
        %get3A_317 = vector.shape_cast %get3A_316 : vector<1x16xf32> to vector<16xf32>
        %get3A_318 = arith.index_cast %add3A_260 : i32 to index
        %get3A_319 = arith.constant 96 : index
        %get3A_320 = tpu.vector_load %arg11[%get3A_318, %get3A_319] {strides = array<i32>} : memref<128x128xf32, #tpu.memory_space<vmem>>, vector<1x16xf32>,
        %get3A_321 = vector.shape_cast %get3A_320 : vector<1x16xf32> to vector<16xf32>
        %mul3A_322 = arith.mulf %get3A_317, %get3A_321 : vector<16xf32>
        %get3A_323 = arith.index_cast %add3A_260 : i32 to index
        %get3A_324 = arith.constant 112 : index
        %get3A_325 = tpu.vector_load %arg9[%get3A_323, %get3A_324] {strides = array<i32>} : memref<128x128xf32, #tpu.memory_space<vmem>>, vector<1x16xf32>,
        %get3A_326 = vector.shape_cast %get3A_325 : vector<1x16xf32> to vector<16xf32>
        %get3A_327 = arith.index_cast %add3A_260 : i32 to index
        %get3A_328 = arith.constant 112 : index
        %get3A_329 = tpu.vector_load %arg11[%get3A_327, %get3A_328] {strides = array<i32>} : memref<128x128xf32, #tpu.memory_space<vmem>>, vector<1x16xf32>,
        %get3A_330 = vector.shape_cast %get3A_329 : vector<1x16xf32> to vector<16xf32>
        %mul3A_331 = arith.mulf %get3A_326, %get3A_330 : vector<16xf32>
        %add3A_332 = arith.addf %mul3A_268, %mul3A_277 : vector<16xf32>
        %add3A_333 = arith.addf %mul3A_286, %mul3A_295 : vector<16xf32>
        %add3A_334 = arith.addf %mul3A_304, %mul3A_313 : vector<16xf32>
        %add3A_335 = arith.addf %mul3A_322, %mul3A_331 : vector<16xf32>
        %add3A_336 = arith.addf %add3A_332, %add3A_333 : vector<16xf32>
        %add3A_337 = arith.addf %add3A_334, %add3A_335 : vector<16xf32>
        %add3A_338 = arith.addf %add3A_336, %add3A_337 : vector<16xf32>
        %lt3A = arith.constant 0 : i32
        %lt3A_339 = vector.broadcast %lt3A : i32 to vector<16xi32>
        %lt3A_340 = arith.cmpi slt, %xor3A_10, %lt3A_339 : vector<16xi32>
        %add3A_341 = arith.constant 16 : i32
        %add3A_342 = vector.broadcast %add3A_341 : i32 to vector<16xi32>
        %add3A_343 = arith.addi %xor3A_10, %add3A_342 : vector<16xi32>
        %select_n3A = arith.select %lt3A_340, %add3A_343, %xor3A_10 : vector<16xi1>, vector<16xi32>
        %broadcast_in_dim3A_344 = vector.shape_cast %select_n3A : vector<16xi32> to vector<16x1xi32>
        %gather3A = vector.shape_cast %broadcast_in_dim3A_344 : vector<16x1xi32> to vector<16xi32>
        %gather3A_345 = tpu.dynamic_gather %add3A_338[%gather3A] in [0] : vector<16xf32>, vector<16xi32> -> vector<16xf32>
        %add3A_346 = arith.addf %add3A_338, %gather3A_345 : vector<16xf32>
        %lt3A_347 = arith.constant 0 : i32
        %lt3A_348 = vector.broadcast %lt3A_347 : i32 to vector<16xi32>
        %lt3A_349 = arith.cmpi slt, %xor3A_13, %lt3A_348 : vector<16xi32>
        %add3A_350 = arith.constant 16 : i32
        %add3A_351 = vector.broadcast %add3A_350 : i32 to vector<16xi32>
        %add3A_352 = arith.addi %xor3A_13, %add3A_351 : vector<16xi32>
        %select_n3A_353 = arith.select %lt3A_349, %add3A_352, %xor3A_13 : vector<16xi1>, vector<16xi32>
        %broadcast_in_dim3A_354 = vector.shape_cast %select_n3A_353 : vector<16xi32> to vector<16x1xi32>
        %gather3A_355 = vector.shape_cast %broadcast_in_dim3A_354 : vector<16x1xi32> to vector<16xi32>
        %gather3A_356 = tpu.dynamic_gather %add3A_346[%gather3A_355] in [0] : vector<16xf32>, vector<16xi32> -> vector<16xf32>
        %add3A_357 = arith.addf %add3A_346, %gather3A_356 : vector<16xf32>
        %lt3A_358 = arith.constant 0 : i32
        %lt3A_359 = vector.broadcast %lt3A_358 : i32 to vector<16xi32>
        %lt3A_360 = arith.cmpi slt, %xor3A_16, %lt3A_359 : vector<16xi32>
        %add3A_361 = arith.constant 16 : i32
        %add3A_362 = vector.broadcast %add3A_361 : i32 to vector<16xi32>
        %add3A_363 = arith.addi %xor3A_16, %add3A_362 : vector<16xi32>
        %select_n3A_364 = arith.select %lt3A_360, %add3A_363, %xor3A_16 : vector<16xi1>, vector<16xi32>
        %broadcast_in_dim3A_365 = vector.shape_cast %select_n3A_364 : vector<16xi32> to vector<16x1xi32>
        %gather3A_366 = vector.shape_cast %broadcast_in_dim3A_365 : vector<16x1xi32> to vector<16xi32>
        %gather3A_367 = tpu.dynamic_gather %add3A_357[%gather3A_366] in [0] : vector<16xf32>, vector<16xi32> -> vector<16xf32>
        %add3A_368 = arith.addf %add3A_357, %gather3A_367 : vector<16xf32>
        %lt3A_369 = arith.constant 0 : i32
        %lt3A_370 = vector.broadcast %lt3A_369 : i32 to vector<16xi32>
        %lt3A_371 = arith.cmpi slt, %xor3A_19, %lt3A_370 : vector<16xi32>
        %add3A_372 = arith.constant 16 : i32
        %add3A_373 = vector.broadcast %add3A_372 : i32 to vector<16xi32>
        %add3A_374 = arith.addi %xor3A_19, %add3A_373 : vector<16xi32>
        %select_n3A_375 = arith.select %lt3A_371, %add3A_374, %xor3A_19 : vector<16xi1>, vector<16xi32>
        %broadcast_in_dim3A_376 = vector.shape_cast %select_n3A_375 : vector<16xi32> to vector<16x1xi32>
        %gather3A_377 = vector.shape_cast %broadcast_in_dim3A_376 : vector<16x1xi32> to vector<16xi32>
        %gather3A_378 = tpu.dynamic_gather %add3A_368[%gather3A_377] in [0] : vector<16xf32>, vector<16xi32> -> vector<16xf32>
        %add3A_379 = arith.addf %add3A_368, %gather3A_378 : vector<16xf32>
        %eq3A = vector.broadcast %scan3A_258 : i32 to vector<16xi32>
        %eq3A_380 = arith.cmpi eq, %iota3A, %eq3A : vector<16xi32>
        %select_n3A_381 = arith.select %eq3A_380, %add3A_379, %scan3A_259 : vector<16xi1>, vector<16xf32>
        scf.yield %select_n3A_381 : vector<16xf32>
      }
      %scan3A_244 = arith.constant 16 : i32
      %neg3A = arith.constant 0.000000e+00 : f32
      %neg3A_245 = vector.broadcast %neg3A : f32 to vector<16xf32>
      %neg3A_246 = arith.subf %neg3A_245, %scan3A_243 : vector<16xf32>
      %exp3A = math.exp %neg3A_246 : vector<16xf32>
      %add3A_247 = arith.constant 1.000000e+00 : f32
      %add3A_248 = vector.broadcast %add3A_247 : f32 to vector<16xf32>
      %add3A_249 = arith.addf %add3A_248, %exp3A : vector<16xf32>
      %div3A = arith.constant 1.000000e+00 : f32
      %div3A_250 = vector.broadcast %div3A : f32 to vector<16xf32>
      %div3A_251 = arith.divf %div3A_250, %add3A_249 : vector<16xf32>
      %add3A_252 = arith.constant 0 : i32
      %add3A_253 = arith.addi %add3A_252, %mul3A_237 : i32
      %swap3A = arith.index_cast %add3A_253 : i32 to index
      %swap3A_254 = tpu.vector_load %arg13[%swap3A] {strides = array<i32>} : memref<512xf32, #tpu.memory_space<vmem>>, vector<16xf32>,
      %swap3A_255 = vector.shape_cast %swap3A_254 : vector<16xf32> to vector<16xf32>
      %swap3A_256 = vector.shape_cast %div3A_251 : vector<16xf32> to vector<16xf32>
      tpu.vector_store %arg13[%swap3A], %swap3A_256 {strides = array<i32>} : memref<512xf32, #tpu.memory_space<vmem>>, vector<16xf32>,
      %scan3A_257 = arith.constant 0 : i32
      scf.yield %scan3A_257 : i32
    }
    %scan3A_106 = arith.constant 4 : i32
    %add3A_107 = arith.constant 0 : i32
    %add3A_108 = arith.addi %mul3A_2, %add3A_107 : i32
    %dma_start3A_109 = arith.constant 0 : i32
    %dma_start3A_110 = tpu.memref_slice %arg13[%dma_start3A_109] : memref<512xf32, #tpu.memory_space<vmem>> -> memref<128xf32, #tpu.memory_space<vmem>>
    %dma_start3A_111 = tpu.memref_slice %arg6[%add3A_108] : memref<16384xf32, #tpu.memory_space<hbm>> -> memref<128xf32, #tpu.memory_space<hbm>>
    %dma_start3A_112 = tpu.memref_slice %arg6[%add3A_108] : memref<16384xf32, #tpu.memory_space<hbm>> -> memref<128xf32, #tpu.memory_space<hbm>>
    %dma_start3A_113 = arith.constant 0 : i32
    %dma_start3A_114 = tpu.memref_slice %arg13[%dma_start3A_113] : memref<512xf32, #tpu.memory_space<vmem>> -> memref<128xf32, #tpu.memory_space<vmem>>
    tpu.enqueue_dma source(%dma_start3A_114 : memref<128xf32, #tpu.memory_space<vmem>>) target(%dma_start3A_112 : memref<128xf32, #tpu.memory_space<hbm>>) target_semaphore(%arg18 : memref<!tpu.dma_semaphore, #tpu.memory_space<semaphore_mem>>)
    %dma_start3A_115 = arith.constant 256 : i32
    %dma_start3A_116 = tpu.memref_slice %arg7[%dma_start3A_115] : memref<512xi32, #tpu.memory_space<vmem>> -> memref<128xi32, #tpu.memory_space<vmem>>
    %dma_start3A_117 = arith.constant 0 : i32
    %dma_start3A_118 = arith.constant 0 : i32
    %dma_start3A_119 = tpu.memref_slice %arg4[%dma_start3A_117, %dma_start3A_118] : memref<100000x128xf32, #tpu.memory_space<hbm>> -> memref<100000x128xf32, #tpu.memory_space<hbm>>
    tpu.enqueue_indirect_dma source(%dma_start3A_119 : memref<100000x128xf32, #tpu.memory_space<hbm>>) target(%arg9 : memref<128x128xf32, #tpu.memory_space<vmem>>) offsets(%dma_start3A_116 : memref<128xi32, #tpu.memory_space<vmem>>) semaphore(%arg14 : memref<!tpu.dma_semaphore, #tpu.memory_space<semaphore_mem>>)
    %dma_start3A_120 = arith.constant 256 : i32
    %dma_start3A_121 = tpu.memref_slice %arg8[%dma_start3A_120] : memref<512xi32, #tpu.memory_space<vmem>> -> memref<128xi32, #tpu.memory_space<vmem>>
    %dma_start3A_122 = arith.constant 0 : i32
    %dma_start3A_123 = arith.constant 0 : i32
    %dma_start3A_124 = tpu.memref_slice %arg5[%dma_start3A_122, %dma_start3A_123] : memref<100000x128xf32, #tpu.memory_space<hbm>> -> memref<100000x128xf32, #tpu.memory_space<hbm>>
    tpu.enqueue_indirect_dma source(%dma_start3A_124 : memref<100000x128xf32, #tpu.memory_space<hbm>>) target(%arg11 : memref<128x128xf32, #tpu.memory_space<vmem>>) offsets(%dma_start3A_121 : memref<128xi32, #tpu.memory_space<vmem>>) semaphore(%arg16 : memref<!tpu.dma_semaphore, #tpu.memory_space<semaphore_mem>>)
    %dma_wait3A_125 = arith.constant 128 : i32
    %dma_wait3A_126 = tpu.memref_slice %arg7[%dma_wait3A_125] : memref<512xi32, #tpu.memory_space<vmem>> -> memref<128xi32, #tpu.memory_space<vmem>>
    %dma_wait3A_127 = arith.constant 0 : i32
    %dma_wait3A_128 = arith.constant 0 : i32
    %dma_wait3A_129 = tpu.memref_slice %arg4[%dma_wait3A_127, %dma_wait3A_128] : memref<100000x128xf32, #tpu.memory_space<hbm>> -> memref<100000x128xf32, #tpu.memory_space<hbm>>
    tpu.wait_indirect_dma semaphore(%arg15 : memref<!tpu.dma_semaphore, #tpu.memory_space<semaphore_mem>>) src(%dma_wait3A_129 : memref<100000x128xf32, #tpu.memory_space<hbm>>) dst(%arg10 : memref<128x128xf32, #tpu.memory_space<vmem>>)
    %dma_wait3A_130 = arith.constant 128 : i32
    %dma_wait3A_131 = tpu.memref_slice %arg8[%dma_wait3A_130] : memref<512xi32, #tpu.memory_space<vmem>> -> memref<128xi32, #tpu.memory_space<vmem>>
    %dma_wait3A_132 = arith.constant 0 : i32
    %dma_wait3A_133 = arith.constant 0 : i32
    %dma_wait3A_134 = tpu.memref_slice %arg5[%dma_wait3A_132, %dma_wait3A_133] : memref<100000x128xf32, #tpu.memory_space<hbm>> -> memref<100000x128xf32, #tpu.memory_space<hbm>>
    tpu.wait_indirect_dma semaphore(%arg17 : memref<!tpu.dma_semaphore, #tpu.memory_space<semaphore_mem>>) src(%dma_wait3A_134 : memref<100000x128xf32, #tpu.memory_space<hbm>>) dst(%arg12 : memref<128x128xf32, #tpu.memory_space<vmem>>)
    %scan3A_135 = arith.constant 0 : i32
    %scan3A_136 = arith.constant 0 : i32
    %scan3A_137 = arith.constant 8 : i32
    %scan3A_138 = arith.addi %scan3A_136, %scan3A_137 : i32
    %scan3A_139 = arith.constant 1 : i32
    %scan3A_140 = scf.for %scan3A_234 = %scan3A_136 to %scan3A_138 step %scan3A_139 iter_args(%scan3A_235 = %scan3A_135) -> (i32)  : i32 {
      %mul3A_236 = arith.constant 16 : i32
      %mul3A_237 = arith.muli %scan3A_234, %mul3A_236 : i32
      %broadcast_in_dim3A = arith.constant 0.000000e+00 : f32
      %broadcast_in_dim3A_238 = vector.broadcast %broadcast_in_dim3A : f32 to vector<16xf32>
      %scan3A_239 = arith.constant 0 : i32
      %scan3A_240 = arith.constant 16 : i32
      %scan3A_241 = arith.addi %scan3A_239, %scan3A_240 : i32
      %scan3A_242 = arith.constant 1 : i32
      %scan3A_243 = scf.for %scan3A_258 = %scan3A_239 to %scan3A_241 step %scan3A_242 iter_args(%scan3A_259 = %broadcast_in_dim3A_238) -> (vector<16xf32>)  : i32 {
        %add3A_260 = arith.addi %mul3A_237, %scan3A_258 : i32
        %get3A = arith.index_cast %add3A_260 : i32 to index
        %get3A_261 = arith.constant 0 : index
        %get3A_262 = tpu.vector_load %arg10[%get3A, %get3A_261] {strides = array<i32>} : memref<128x128xf32, #tpu.memory_space<vmem>>, vector<1x16xf32>,
        %get3A_263 = vector.shape_cast %get3A_262 : vector<1x16xf32> to vector<16xf32>
        %get3A_264 = arith.index_cast %add3A_260 : i32 to index
        %get3A_265 = arith.constant 0 : index
        %get3A_266 = tpu.vector_load %arg12[%get3A_264, %get3A_265] {strides = array<i32>} : memref<128x128xf32, #tpu.memory_space<vmem>>, vector<1x16xf32>,
        %get3A_267 = vector.shape_cast %get3A_266 : vector<1x16xf32> to vector<16xf32>
        %mul3A_268 = arith.mulf %get3A_263, %get3A_267 : vector<16xf32>
        %get3A_269 = arith.index_cast %add3A_260 : i32 to index
        %get3A_270 = arith.constant 16 : index
        %get3A_271 = tpu.vector_load %arg10[%get3A_269, %get3A_270] {strides = array<i32>} : memref<128x128xf32, #tpu.memory_space<vmem>>, vector<1x16xf32>,
        %get3A_272 = vector.shape_cast %get3A_271 : vector<1x16xf32> to vector<16xf32>
        %get3A_273 = arith.index_cast %add3A_260 : i32 to index
        %get3A_274 = arith.constant 16 : index
        %get3A_275 = tpu.vector_load %arg12[%get3A_273, %get3A_274] {strides = array<i32>} : memref<128x128xf32, #tpu.memory_space<vmem>>, vector<1x16xf32>,
        %get3A_276 = vector.shape_cast %get3A_275 : vector<1x16xf32> to vector<16xf32>
        %mul3A_277 = arith.mulf %get3A_272, %get3A_276 : vector<16xf32>
        %get3A_278 = arith.index_cast %add3A_260 : i32 to index
        %get3A_279 = arith.constant 32 : index
        %get3A_280 = tpu.vector_load %arg10[%get3A_278, %get3A_279] {strides = array<i32>} : memref<128x128xf32, #tpu.memory_space<vmem>>, vector<1x16xf32>,
        %get3A_281 = vector.shape_cast %get3A_280 : vector<1x16xf32> to vector<16xf32>
        %get3A_282 = arith.index_cast %add3A_260 : i32 to index
        %get3A_283 = arith.constant 32 : index
        %get3A_284 = tpu.vector_load %arg12[%get3A_282, %get3A_283] {strides = array<i32>} : memref<128x128xf32, #tpu.memory_space<vmem>>, vector<1x16xf32>,
        %get3A_285 = vector.shape_cast %get3A_284 : vector<1x16xf32> to vector<16xf32>
        %mul3A_286 = arith.mulf %get3A_281, %get3A_285 : vector<16xf32>
        %get3A_287 = arith.index_cast %add3A_260 : i32 to index
        %get3A_288 = arith.constant 48 : index
        %get3A_289 = tpu.vector_load %arg10[%get3A_287, %get3A_288] {strides = array<i32>} : memref<128x128xf32, #tpu.memory_space<vmem>>, vector<1x16xf32>,
        %get3A_290 = vector.shape_cast %get3A_289 : vector<1x16xf32> to vector<16xf32>
        %get3A_291 = arith.index_cast %add3A_260 : i32 to index
        %get3A_292 = arith.constant 48 : index
        %get3A_293 = tpu.vector_load %arg12[%get3A_291, %get3A_292] {strides = array<i32>} : memref<128x128xf32, #tpu.memory_space<vmem>>, vector<1x16xf32>,
        %get3A_294 = vector.shape_cast %get3A_293 : vector<1x16xf32> to vector<16xf32>
        %mul3A_295 = arith.mulf %get3A_290, %get3A_294 : vector<16xf32>
        %get3A_296 = arith.index_cast %add3A_260 : i32 to index
        %get3A_297 = arith.constant 64 : index
        %get3A_298 = tpu.vector_load %arg10[%get3A_296, %get3A_297] {strides = array<i32>} : memref<128x128xf32, #tpu.memory_space<vmem>>, vector<1x16xf32>,
        %get3A_299 = vector.shape_cast %get3A_298 : vector<1x16xf32> to vector<16xf32>
        %get3A_300 = arith.index_cast %add3A_260 : i32 to index
        %get3A_301 = arith.constant 64 : index
        %get3A_302 = tpu.vector_load %arg12[%get3A_300, %get3A_301] {strides = array<i32>} : memref<128x128xf32, #tpu.memory_space<vmem>>, vector<1x16xf32>,
        %get3A_303 = vector.shape_cast %get3A_302 : vector<1x16xf32> to vector<16xf32>
        %mul3A_304 = arith.mulf %get3A_299, %get3A_303 : vector<16xf32>
        %get3A_305 = arith.index_cast %add3A_260 : i32 to index
        %get3A_306 = arith.constant 80 : index
        %get3A_307 = tpu.vector_load %arg10[%get3A_305, %get3A_306] {strides = array<i32>} : memref<128x128xf32, #tpu.memory_space<vmem>>, vector<1x16xf32>,
        %get3A_308 = vector.shape_cast %get3A_307 : vector<1x16xf32> to vector<16xf32>
        %get3A_309 = arith.index_cast %add3A_260 : i32 to index
        %get3A_310 = arith.constant 80 : index
        %get3A_311 = tpu.vector_load %arg12[%get3A_309, %get3A_310] {strides = array<i32>} : memref<128x128xf32, #tpu.memory_space<vmem>>, vector<1x16xf32>,
        %get3A_312 = vector.shape_cast %get3A_311 : vector<1x16xf32> to vector<16xf32>
        %mul3A_313 = arith.mulf %get3A_308, %get3A_312 : vector<16xf32>
        %get3A_314 = arith.index_cast %add3A_260 : i32 to index
        %get3A_315 = arith.constant 96 : index
        %get3A_316 = tpu.vector_load %arg10[%get3A_314, %get3A_315] {strides = array<i32>} : memref<128x128xf32, #tpu.memory_space<vmem>>, vector<1x16xf32>,
        %get3A_317 = vector.shape_cast %get3A_316 : vector<1x16xf32> to vector<16xf32>
        %get3A_318 = arith.index_cast %add3A_260 : i32 to index
        %get3A_319 = arith.constant 96 : index
        %get3A_320 = tpu.vector_load %arg12[%get3A_318, %get3A_319] {strides = array<i32>} : memref<128x128xf32, #tpu.memory_space<vmem>>, vector<1x16xf32>,
        %get3A_321 = vector.shape_cast %get3A_320 : vector<1x16xf32> to vector<16xf32>
        %mul3A_322 = arith.mulf %get3A_317, %get3A_321 : vector<16xf32>
        %get3A_323 = arith.index_cast %add3A_260 : i32 to index
        %get3A_324 = arith.constant 112 : index
        %get3A_325 = tpu.vector_load %arg10[%get3A_323, %get3A_324] {strides = array<i32>} : memref<128x128xf32, #tpu.memory_space<vmem>>, vector<1x16xf32>,
        %get3A_326 = vector.shape_cast %get3A_325 : vector<1x16xf32> to vector<16xf32>
        %get3A_327 = arith.index_cast %add3A_260 : i32 to index
        %get3A_328 = arith.constant 112 : index
        %get3A_329 = tpu.vector_load %arg12[%get3A_327, %get3A_328] {strides = array<i32>} : memref<128x128xf32, #tpu.memory_space<vmem>>, vector<1x16xf32>,
        %get3A_330 = vector.shape_cast %get3A_329 : vector<1x16xf32> to vector<16xf32>
        %mul3A_331 = arith.mulf %get3A_326, %get3A_330 : vector<16xf32>
        %add3A_332 = arith.addf %mul3A_268, %mul3A_277 : vector<16xf32>
        %add3A_333 = arith.addf %mul3A_286, %mul3A_295 : vector<16xf32>
        %add3A_334 = arith.addf %mul3A_304, %mul3A_313 : vector<16xf32>
        %add3A_335 = arith.addf %mul3A_322, %mul3A_331 : vector<16xf32>
        %add3A_336 = arith.addf %add3A_332, %add3A_333 : vector<16xf32>
        %add3A_337 = arith.addf %add3A_334, %add3A_335 : vector<16xf32>
        %add3A_338 = arith.addf %add3A_336, %add3A_337 : vector<16xf32>
        %lt3A = arith.constant 0 : i32
        %lt3A_339 = vector.broadcast %lt3A : i32 to vector<16xi32>
        %lt3A_340 = arith.cmpi slt, %xor3A_10, %lt3A_339 : vector<16xi32>
        %add3A_341 = arith.constant 16 : i32
        %add3A_342 = vector.broadcast %add3A_341 : i32 to vector<16xi32>
        %add3A_343 = arith.addi %xor3A_10, %add3A_342 : vector<16xi32>
        %select_n3A = arith.select %lt3A_340, %add3A_343, %xor3A_10 : vector<16xi1>, vector<16xi32>
        %broadcast_in_dim3A_344 = vector.shape_cast %select_n3A : vector<16xi32> to vector<16x1xi32>
        %gather3A = vector.shape_cast %broadcast_in_dim3A_344 : vector<16x1xi32> to vector<16xi32>
        %gather3A_345 = tpu.dynamic_gather %add3A_338[%gather3A] in [0] : vector<16xf32>, vector<16xi32> -> vector<16xf32>
        %add3A_346 = arith.addf %add3A_338, %gather3A_345 : vector<16xf32>
        %lt3A_347 = arith.constant 0 : i32
        %lt3A_348 = vector.broadcast %lt3A_347 : i32 to vector<16xi32>
        %lt3A_349 = arith.cmpi slt, %xor3A_13, %lt3A_348 : vector<16xi32>
        %add3A_350 = arith.constant 16 : i32
        %add3A_351 = vector.broadcast %add3A_350 : i32 to vector<16xi32>
        %add3A_352 = arith.addi %xor3A_13, %add3A_351 : vector<16xi32>
        %select_n3A_353 = arith.select %lt3A_349, %add3A_352, %xor3A_13 : vector<16xi1>, vector<16xi32>
        %broadcast_in_dim3A_354 = vector.shape_cast %select_n3A_353 : vector<16xi32> to vector<16x1xi32>
        %gather3A_355 = vector.shape_cast %broadcast_in_dim3A_354 : vector<16x1xi32> to vector<16xi32>
        %gather3A_356 = tpu.dynamic_gather %add3A_346[%gather3A_355] in [0] : vector<16xf32>, vector<16xi32> -> vector<16xf32>
        %add3A_357 = arith.addf %add3A_346, %gather3A_356 : vector<16xf32>
        %lt3A_358 = arith.constant 0 : i32
        %lt3A_359 = vector.broadcast %lt3A_358 : i32 to vector<16xi32>
        %lt3A_360 = arith.cmpi slt, %xor3A_16, %lt3A_359 : vector<16xi32>
        %add3A_361 = arith.constant 16 : i32
        %add3A_362 = vector.broadcast %add3A_361 : i32 to vector<16xi32>
        %add3A_363 = arith.addi %xor3A_16, %add3A_362 : vector<16xi32>
        %select_n3A_364 = arith.select %lt3A_360, %add3A_363, %xor3A_16 : vector<16xi1>, vector<16xi32>
        %broadcast_in_dim3A_365 = vector.shape_cast %select_n3A_364 : vector<16xi32> to vector<16x1xi32>
        %gather3A_366 = vector.shape_cast %broadcast_in_dim3A_365 : vector<16x1xi32> to vector<16xi32>
        %gather3A_367 = tpu.dynamic_gather %add3A_357[%gather3A_366] in [0] : vector<16xf32>, vector<16xi32> -> vector<16xf32>
        %add3A_368 = arith.addf %add3A_357, %gather3A_367 : vector<16xf32>
        %lt3A_369 = arith.constant 0 : i32
        %lt3A_370 = vector.broadcast %lt3A_369 : i32 to vector<16xi32>
        %lt3A_371 = arith.cmpi slt, %xor3A_19, %lt3A_370 : vector<16xi32>
        %add3A_372 = arith.constant 16 : i32
        %add3A_373 = vector.broadcast %add3A_372 : i32 to vector<16xi32>
        %add3A_374 = arith.addi %xor3A_19, %add3A_373 : vector<16xi32>
        %select_n3A_375 = arith.select %lt3A_371, %add3A_374, %xor3A_19 : vector<16xi1>, vector<16xi32>
        %broadcast_in_dim3A_376 = vector.shape_cast %select_n3A_375 : vector<16xi32> to vector<16x1xi32>
        %gather3A_377 = vector.shape_cast %broadcast_in_dim3A_376 : vector<16x1xi32> to vector<16xi32>
        %gather3A_378 = tpu.dynamic_gather %add3A_368[%gather3A_377] in [0] : vector<16xf32>, vector<16xi32> -> vector<16xf32>
        %add3A_379 = arith.addf %add3A_368, %gather3A_378 : vector<16xf32>
        %eq3A = vector.broadcast %scan3A_258 : i32 to vector<16xi32>
        %eq3A_380 = arith.cmpi eq, %iota3A, %eq3A : vector<16xi32>
        %select_n3A_381 = arith.select %eq3A_380, %add3A_379, %scan3A_259 : vector<16xi1>, vector<16xf32>
        scf.yield %select_n3A_381 : vector<16xf32>
      }
      %scan3A_244 = arith.constant 16 : i32
      %neg3A = arith.constant 0.000000e+00 : f32
      %neg3A_245 = vector.broadcast %neg3A : f32 to vector<16xf32>
      %neg3A_246 = arith.subf %neg3A_245, %scan3A_243 : vector<16xf32>
      %exp3A = math.exp %neg3A_246 : vector<16xf32>
      %add3A_247 = arith.constant 1.000000e+00 : f32
      %add3A_248 = vector.broadcast %add3A_247 : f32 to vector<16xf32>
      %add3A_249 = arith.addf %add3A_248, %exp3A : vector<16xf32>
      %div3A = arith.constant 1.000000e+00 : f32
      %div3A_250 = vector.broadcast %div3A : f32 to vector<16xf32>
      %div3A_251 = arith.divf %div3A_250, %add3A_249 : vector<16xf32>
      %add3A_252 = arith.constant 128 : i32
      %add3A_253 = arith.addi %add3A_252, %mul3A_237 : i32
      %swap3A = arith.index_cast %add3A_253 : i32 to index
      %swap3A_254 = tpu.vector_load %arg13[%swap3A] {strides = array<i32>} : memref<512xf32, #tpu.memory_space<vmem>>, vector<16xf32>,
      %swap3A_255 = vector.shape_cast %swap3A_254 : vector<16xf32> to vector<16xf32>
      %swap3A_256 = vector.shape_cast %div3A_251 : vector<16xf32> to vector<16xf32>
      tpu.vector_store %arg13[%swap3A], %swap3A_256 {strides = array<i32>} : memref<512xf32, #tpu.memory_space<vmem>>, vector<16xf32>,
      %scan3A_257 = arith.constant 0 : i32
      scf.yield %scan3A_257 : i32
    }
    %scan3A_141 = arith.constant 8 : i32
    %add3A_142 = arith.constant 128 : i32
    %add3A_143 = arith.addi %mul3A_2, %add3A_142 : i32
    %dma_start3A_144 = arith.constant 128 : i32
    %dma_start3A_145 = tpu.memref_slice %arg13[%dma_start3A_144] : memref<512xf32, #tpu.memory_space<vmem>> -> memref<128xf32, #tpu.memory_space<vmem>>
    %dma_start3A_146 = tpu.memref_slice %arg6[%add3A_143] : memref<16384xf32, #tpu.memory_space<hbm>> -> memref<128xf32, #tpu.memory_space<hbm>>
    %dma_start3A_147 = tpu.memref_slice %arg6[%add3A_143] : memref<16384xf32, #tpu.memory_space<hbm>> -> memref<128xf32, #tpu.memory_space<hbm>>
    %dma_start3A_148 = arith.constant 128 : i32
    %dma_start3A_149 = tpu.memref_slice %arg13[%dma_start3A_148] : memref<512xf32, #tpu.memory_space<vmem>> -> memref<128xf32, #tpu.memory_space<vmem>>
    tpu.enqueue_dma source(%dma_start3A_149 : memref<128xf32, #tpu.memory_space<vmem>>) target(%dma_start3A_147 : memref<128xf32, #tpu.memory_space<hbm>>) target_semaphore(%arg18 : memref<!tpu.dma_semaphore, #tpu.memory_space<semaphore_mem>>)
    %dma_start3A_150 = arith.constant 384 : i32
    %dma_start3A_151 = tpu.memref_slice %arg7[%dma_start3A_150] : memref<512xi32, #tpu.memory_space<vmem>> -> memref<128xi32, #tpu.memory_space<vmem>>
    %dma_start3A_152 = arith.constant 0 : i32
    %dma_start3A_153 = arith.constant 0 : i32
    %dma_start3A_154 = tpu.memref_slice %arg4[%dma_start3A_152, %dma_start3A_153] : memref<100000x128xf32, #tpu.memory_space<hbm>> -> memref<100000x128xf32, #tpu.memory_space<hbm>>
    tpu.enqueue_indirect_dma source(%dma_start3A_154 : memref<100000x128xf32, #tpu.memory_space<hbm>>) target(%arg10 : memref<128x128xf32, #tpu.memory_space<vmem>>) offsets(%dma_start3A_151 : memref<128xi32, #tpu.memory_space<vmem>>) semaphore(%arg15 : memref<!tpu.dma_semaphore, #tpu.memory_space<semaphore_mem>>)
    %dma_start3A_155 = arith.constant 384 : i32
    %dma_start3A_156 = tpu.memref_slice %arg8[%dma_start3A_155] : memref<512xi32, #tpu.memory_space<vmem>> -> memref<128xi32, #tpu.memory_space<vmem>>
    %dma_start3A_157 = arith.constant 0 : i32
    %dma_start3A_158 = arith.constant 0 : i32
    %dma_start3A_159 = tpu.memref_slice %arg5[%dma_start3A_157, %dma_start3A_158] : memref<100000x128xf32, #tpu.memory_space<hbm>> -> memref<100000x128xf32, #tpu.memory_space<hbm>>
    tpu.enqueue_indirect_dma source(%dma_start3A_159 : memref<100000x128xf32, #tpu.memory_space<hbm>>) target(%arg12 : memref<128x128xf32, #tpu.memory_space<vmem>>) offsets(%dma_start3A_156 : memref<128xi32, #tpu.memory_space<vmem>>) semaphore(%arg17 : memref<!tpu.dma_semaphore, #tpu.memory_space<semaphore_mem>>)
    %dma_wait3A_160 = arith.constant 256 : i32
    %dma_wait3A_161 = tpu.memref_slice %arg7[%dma_wait3A_160] : memref<512xi32, #tpu.memory_space<vmem>> -> memref<128xi32, #tpu.memory_space<vmem>>
    %dma_wait3A_162 = arith.constant 0 : i32
    %dma_wait3A_163 = arith.constant 0 : i32
    %dma_wait3A_164 = tpu.memref_slice %arg4[%dma_wait3A_162, %dma_wait3A_163] : memref<100000x128xf32, #tpu.memory_space<hbm>> -> memref<100000x128xf32, #tpu.memory_space<hbm>>
    tpu.wait_indirect_dma semaphore(%arg14 : memref<!tpu.dma_semaphore, #tpu.memory_space<semaphore_mem>>) src(%dma_wait3A_164 : memref<100000x128xf32, #tpu.memory_space<hbm>>) dst(%arg9 : memref<128x128xf32, #tpu.memory_space<vmem>>)
    %dma_wait3A_165 = arith.constant 256 : i32
    %dma_wait3A_166 = tpu.memref_slice %arg8[%dma_wait3A_165] : memref<512xi32, #tpu.memory_space<vmem>> -> memref<128xi32, #tpu.memory_space<vmem>>
    %dma_wait3A_167 = arith.constant 0 : i32
    %dma_wait3A_168 = arith.constant 0 : i32
    %dma_wait3A_169 = tpu.memref_slice %arg5[%dma_wait3A_167, %dma_wait3A_168] : memref<100000x128xf32, #tpu.memory_space<hbm>> -> memref<100000x128xf32, #tpu.memory_space<hbm>>
    tpu.wait_indirect_dma semaphore(%arg16 : memref<!tpu.dma_semaphore, #tpu.memory_space<semaphore_mem>>) src(%dma_wait3A_169 : memref<100000x128xf32, #tpu.memory_space<hbm>>) dst(%arg11 : memref<128x128xf32, #tpu.memory_space<vmem>>)
    %scan3A_170 = arith.constant 0 : i32
    %scan3A_171 = arith.constant 0 : i32
    %scan3A_172 = arith.constant 8 : i32
    %scan3A_173 = arith.addi %scan3A_171, %scan3A_172 : i32
    %scan3A_174 = arith.constant 1 : i32
    %scan3A_175 = scf.for %scan3A_234 = %scan3A_171 to %scan3A_173 step %scan3A_174 iter_args(%scan3A_235 = %scan3A_170) -> (i32)  : i32 {
      %mul3A_236 = arith.constant 16 : i32
      %mul3A_237 = arith.muli %scan3A_234, %mul3A_236 : i32
      %broadcast_in_dim3A = arith.constant 0.000000e+00 : f32
      %broadcast_in_dim3A_238 = vector.broadcast %broadcast_in_dim3A : f32 to vector<16xf32>
      %scan3A_239 = arith.constant 0 : i32
      %scan3A_240 = arith.constant 16 : i32
      %scan3A_241 = arith.addi %scan3A_239, %scan3A_240 : i32
      %scan3A_242 = arith.constant 1 : i32
      %scan3A_243 = scf.for %scan3A_258 = %scan3A_239 to %scan3A_241 step %scan3A_242 iter_args(%scan3A_259 = %broadcast_in_dim3A_238) -> (vector<16xf32>)  : i32 {
        %add3A_260 = arith.addi %mul3A_237, %scan3A_258 : i32
        %get3A = arith.index_cast %add3A_260 : i32 to index
        %get3A_261 = arith.constant 0 : index
        %get3A_262 = tpu.vector_load %arg9[%get3A, %get3A_261] {strides = array<i32>} : memref<128x128xf32, #tpu.memory_space<vmem>>, vector<1x16xf32>,
        %get3A_263 = vector.shape_cast %get3A_262 : vector<1x16xf32> to vector<16xf32>
        %get3A_264 = arith.index_cast %add3A_260 : i32 to index
        %get3A_265 = arith.constant 0 : index
        %get3A_266 = tpu.vector_load %arg11[%get3A_264, %get3A_265] {strides = array<i32>} : memref<128x128xf32, #tpu.memory_space<vmem>>, vector<1x16xf32>,
        %get3A_267 = vector.shape_cast %get3A_266 : vector<1x16xf32> to vector<16xf32>
        %mul3A_268 = arith.mulf %get3A_263, %get3A_267 : vector<16xf32>
        %get3A_269 = arith.index_cast %add3A_260 : i32 to index
        %get3A_270 = arith.constant 16 : index
        %get3A_271 = tpu.vector_load %arg9[%get3A_269, %get3A_270] {strides = array<i32>} : memref<128x128xf32, #tpu.memory_space<vmem>>, vector<1x16xf32>,
        %get3A_272 = vector.shape_cast %get3A_271 : vector<1x16xf32> to vector<16xf32>
        %get3A_273 = arith.index_cast %add3A_260 : i32 to index
        %get3A_274 = arith.constant 16 : index
        %get3A_275 = tpu.vector_load %arg11[%get3A_273, %get3A_274] {strides = array<i32>} : memref<128x128xf32, #tpu.memory_space<vmem>>, vector<1x16xf32>,
        %get3A_276 = vector.shape_cast %get3A_275 : vector<1x16xf32> to vector<16xf32>
        %mul3A_277 = arith.mulf %get3A_272, %get3A_276 : vector<16xf32>
        %get3A_278 = arith.index_cast %add3A_260 : i32 to index
        %get3A_279 = arith.constant 32 : index
        %get3A_280 = tpu.vector_load %arg9[%get3A_278, %get3A_279] {strides = array<i32>} : memref<128x128xf32, #tpu.memory_space<vmem>>, vector<1x16xf32>,
        %get3A_281 = vector.shape_cast %get3A_280 : vector<1x16xf32> to vector<16xf32>
        %get3A_282 = arith.index_cast %add3A_260 : i32 to index
        %get3A_283 = arith.constant 32 : index
        %get3A_284 = tpu.vector_load %arg11[%get3A_282, %get3A_283] {strides = array<i32>} : memref<128x128xf32, #tpu.memory_space<vmem>>, vector<1x16xf32>,
        %get3A_285 = vector.shape_cast %get3A_284 : vector<1x16xf32> to vector<16xf32>
        %mul3A_286 = arith.mulf %get3A_281, %get3A_285 : vector<16xf32>
        %get3A_287 = arith.index_cast %add3A_260 : i32 to index
        %get3A_288 = arith.constant 48 : index
        %get3A_289 = tpu.vector_load %arg9[%get3A_287, %get3A_288] {strides = array<i32>} : memref<128x128xf32, #tpu.memory_space<vmem>>, vector<1x16xf32>,
        %get3A_290 = vector.shape_cast %get3A_289 : vector<1x16xf32> to vector<16xf32>
        %get3A_291 = arith.index_cast %add3A_260 : i32 to index
        %get3A_292 = arith.constant 48 : index
        %get3A_293 = tpu.vector_load %arg11[%get3A_291, %get3A_292] {strides = array<i32>} : memref<128x128xf32, #tpu.memory_space<vmem>>, vector<1x16xf32>,
        %get3A_294 = vector.shape_cast %get3A_293 : vector<1x16xf32> to vector<16xf32>
        %mul3A_295 = arith.mulf %get3A_290, %get3A_294 : vector<16xf32>
        %get3A_296 = arith.index_cast %add3A_260 : i32 to index
        %get3A_297 = arith.constant 64 : index
        %get3A_298 = tpu.vector_load %arg9[%get3A_296, %get3A_297] {strides = array<i32>} : memref<128x128xf32, #tpu.memory_space<vmem>>, vector<1x16xf32>,
        %get3A_299 = vector.shape_cast %get3A_298 : vector<1x16xf32> to vector<16xf32>
        %get3A_300 = arith.index_cast %add3A_260 : i32 to index
        %get3A_301 = arith.constant 64 : index
        %get3A_302 = tpu.vector_load %arg11[%get3A_300, %get3A_301] {strides = array<i32>} : memref<128x128xf32, #tpu.memory_space<vmem>>, vector<1x16xf32>,
        %get3A_303 = vector.shape_cast %get3A_302 : vector<1x16xf32> to vector<16xf32>
        %mul3A_304 = arith.mulf %get3A_299, %get3A_303 : vector<16xf32>
        %get3A_305 = arith.index_cast %add3A_260 : i32 to index
        %get3A_306 = arith.constant 80 : index
        %get3A_307 = tpu.vector_load %arg9[%get3A_305, %get3A_306] {strides = array<i32>} : memref<128x128xf32, #tpu.memory_space<vmem>>, vector<1x16xf32>,
        %get3A_308 = vector.shape_cast %get3A_307 : vector<1x16xf32> to vector<16xf32>
        %get3A_309 = arith.index_cast %add3A_260 : i32 to index
        %get3A_310 = arith.constant 80 : index
        %get3A_311 = tpu.vector_load %arg11[%get3A_309, %get3A_310] {strides = array<i32>} : memref<128x128xf32, #tpu.memory_space<vmem>>, vector<1x16xf32>,
        %get3A_312 = vector.shape_cast %get3A_311 : vector<1x16xf32> to vector<16xf32>
        %mul3A_313 = arith.mulf %get3A_308, %get3A_312 : vector<16xf32>
        %get3A_314 = arith.index_cast %add3A_260 : i32 to index
        %get3A_315 = arith.constant 96 : index
        %get3A_316 = tpu.vector_load %arg9[%get3A_314, %get3A_315] {strides = array<i32>} : memref<128x128xf32, #tpu.memory_space<vmem>>, vector<1x16xf32>,
        %get3A_317 = vector.shape_cast %get3A_316 : vector<1x16xf32> to vector<16xf32>
        %get3A_318 = arith.index_cast %add3A_260 : i32 to index
        %get3A_319 = arith.constant 96 : index
        %get3A_320 = tpu.vector_load %arg11[%get3A_318, %get3A_319] {strides = array<i32>} : memref<128x128xf32, #tpu.memory_space<vmem>>, vector<1x16xf32>,
        %get3A_321 = vector.shape_cast %get3A_320 : vector<1x16xf32> to vector<16xf32>
        %mul3A_322 = arith.mulf %get3A_317, %get3A_321 : vector<16xf32>
        %get3A_323 = arith.index_cast %add3A_260 : i32 to index
        %get3A_324 = arith.constant 112 : index
        %get3A_325 = tpu.vector_load %arg9[%get3A_323, %get3A_324] {strides = array<i32>} : memref<128x128xf32, #tpu.memory_space<vmem>>, vector<1x16xf32>,
        %get3A_326 = vector.shape_cast %get3A_325 : vector<1x16xf32> to vector<16xf32>
        %get3A_327 = arith.index_cast %add3A_260 : i32 to index
        %get3A_328 = arith.constant 112 : index
        %get3A_329 = tpu.vector_load %arg11[%get3A_327, %get3A_328] {strides = array<i32>} : memref<128x128xf32, #tpu.memory_space<vmem>>, vector<1x16xf32>,
        %get3A_330 = vector.shape_cast %get3A_329 : vector<1x16xf32> to vector<16xf32>
        %mul3A_331 = arith.mulf %get3A_326, %get3A_330 : vector<16xf32>
        %add3A_332 = arith.addf %mul3A_268, %mul3A_277 : vector<16xf32>
        %add3A_333 = arith.addf %mul3A_286, %mul3A_295 : vector<16xf32>
        %add3A_334 = arith.addf %mul3A_304, %mul3A_313 : vector<16xf32>
        %add3A_335 = arith.addf %mul3A_322, %mul3A_331 : vector<16xf32>
        %add3A_336 = arith.addf %add3A_332, %add3A_333 : vector<16xf32>
        %add3A_337 = arith.addf %add3A_334, %add3A_335 : vector<16xf32>
        %add3A_338 = arith.addf %add3A_336, %add3A_337 : vector<16xf32>
        %lt3A = arith.constant 0 : i32
        %lt3A_339 = vector.broadcast %lt3A : i32 to vector<16xi32>
        %lt3A_340 = arith.cmpi slt, %xor3A_10, %lt3A_339 : vector<16xi32>
        %add3A_341 = arith.constant 16 : i32
        %add3A_342 = vector.broadcast %add3A_341 : i32 to vector<16xi32>
        %add3A_343 = arith.addi %xor3A_10, %add3A_342 : vector<16xi32>
        %select_n3A = arith.select %lt3A_340, %add3A_343, %xor3A_10 : vector<16xi1>, vector<16xi32>
        %broadcast_in_dim3A_344 = vector.shape_cast %select_n3A : vector<16xi32> to vector<16x1xi32>
        %gather3A = vector.shape_cast %broadcast_in_dim3A_344 : vector<16x1xi32> to vector<16xi32>
        %gather3A_345 = tpu.dynamic_gather %add3A_338[%gather3A] in [0] : vector<16xf32>, vector<16xi32> -> vector<16xf32>
        %add3A_346 = arith.addf %add3A_338, %gather3A_345 : vector<16xf32>
        %lt3A_347 = arith.constant 0 : i32
        %lt3A_348 = vector.broadcast %lt3A_347 : i32 to vector<16xi32>
        %lt3A_349 = arith.cmpi slt, %xor3A_13, %lt3A_348 : vector<16xi32>
        %add3A_350 = arith.constant 16 : i32
        %add3A_351 = vector.broadcast %add3A_350 : i32 to vector<16xi32>
        %add3A_352 = arith.addi %xor3A_13, %add3A_351 : vector<16xi32>
        %select_n3A_353 = arith.select %lt3A_349, %add3A_352, %xor3A_13 : vector<16xi1>, vector<16xi32>
        %broadcast_in_dim3A_354 = vector.shape_cast %select_n3A_353 : vector<16xi32> to vector<16x1xi32>
        %gather3A_355 = vector.shape_cast %broadcast_in_dim3A_354 : vector<16x1xi32> to vector<16xi32>
        %gather3A_356 = tpu.dynamic_gather %add3A_346[%gather3A_355] in [0] : vector<16xf32>, vector<16xi32> -> vector<16xf32>
        %add3A_357 = arith.addf %add3A_346, %gather3A_356 : vector<16xf32>
        %lt3A_358 = arith.constant 0 : i32
        %lt3A_359 = vector.broadcast %lt3A_358 : i32 to vector<16xi32>
        %lt3A_360 = arith.cmpi slt, %xor3A_16, %lt3A_359 : vector<16xi32>
        %add3A_361 = arith.constant 16 : i32
        %add3A_362 = vector.broadcast %add3A_361 : i32 to vector<16xi32>
        %add3A_363 = arith.addi %xor3A_16, %add3A_362 : vector<16xi32>
        %select_n3A_364 = arith.select %lt3A_360, %add3A_363, %xor3A_16 : vector<16xi1>, vector<16xi32>
        %broadcast_in_dim3A_365 = vector.shape_cast %select_n3A_364 : vector<16xi32> to vector<16x1xi32>
        %gather3A_366 = vector.shape_cast %broadcast_in_dim3A_365 : vector<16x1xi32> to vector<16xi32>
        %gather3A_367 = tpu.dynamic_gather %add3A_357[%gather3A_366] in [0] : vector<16xf32>, vector<16xi32> -> vector<16xf32>
        %add3A_368 = arith.addf %add3A_357, %gather3A_367 : vector<16xf32>
        %lt3A_369 = arith.constant 0 : i32
        %lt3A_370 = vector.broadcast %lt3A_369 : i32 to vector<16xi32>
        %lt3A_371 = arith.cmpi slt, %xor3A_19, %lt3A_370 : vector<16xi32>
        %add3A_372 = arith.constant 16 : i32
        %add3A_373 = vector.broadcast %add3A_372 : i32 to vector<16xi32>
        %add3A_374 = arith.addi %xor3A_19, %add3A_373 : vector<16xi32>
        %select_n3A_375 = arith.select %lt3A_371, %add3A_374, %xor3A_19 : vector<16xi1>, vector<16xi32>
        %broadcast_in_dim3A_376 = vector.shape_cast %select_n3A_375 : vector<16xi32> to vector<16x1xi32>
        %gather3A_377 = vector.shape_cast %broadcast_in_dim3A_376 : vector<16x1xi32> to vector<16xi32>
        %gather3A_378 = tpu.dynamic_gather %add3A_368[%gather3A_377] in [0] : vector<16xf32>, vector<16xi32> -> vector<16xf32>
        %add3A_379 = arith.addf %add3A_368, %gather3A_378 : vector<16xf32>
        %eq3A = vector.broadcast %scan3A_258 : i32 to vector<16xi32>
        %eq3A_380 = arith.cmpi eq, %iota3A, %eq3A : vector<16xi32>
        %select_n3A_381 = arith.select %eq3A_380, %add3A_379, %scan3A_259 : vector<16xi1>, vector<16xf32>
        scf.yield %select_n3A_381 : vector<16xf32>
      }
      %scan3A_244 = arith.constant 16 : i32
      %neg3A = arith.constant 0.000000e+00 : f32
      %neg3A_245 = vector.broadcast %neg3A : f32 to vector<16xf32>
      %neg3A_246 = arith.subf %neg3A_245, %scan3A_243 : vector<16xf32>
      %exp3A = math.exp %neg3A_246 : vector<16xf32>
      %add3A_247 = arith.constant 1.000000e+00 : f32
      %add3A_248 = vector.broadcast %add3A_247 : f32 to vector<16xf32>
      %add3A_249 = arith.addf %add3A_248, %exp3A : vector<16xf32>
      %div3A = arith.constant 1.000000e+00 : f32
      %div3A_250 = vector.broadcast %div3A : f32 to vector<16xf32>
      %div3A_251 = arith.divf %div3A_250, %add3A_249 : vector<16xf32>
      %add3A_252 = arith.constant 256 : i32
      %add3A_253 = arith.addi %add3A_252, %mul3A_237 : i32
      %swap3A = arith.index_cast %add3A_253 : i32 to index
      %swap3A_254 = tpu.vector_load %arg13[%swap3A] {strides = array<i32>} : memref<512xf32, #tpu.memory_space<vmem>>, vector<16xf32>,
      %swap3A_255 = vector.shape_cast %swap3A_254 : vector<16xf32> to vector<16xf32>
      %swap3A_256 = vector.shape_cast %div3A_251 : vector<16xf32> to vector<16xf32>
      tpu.vector_store %arg13[%swap3A], %swap3A_256 {strides = array<i32>} : memref<512xf32, #tpu.memory_space<vmem>>, vector<16xf32>,
      %scan3A_257 = arith.constant 0 : i32
      scf.yield %scan3A_257 : i32
    }
    %scan3A_176 = arith.constant 8 : i32
    %add3A_177 = arith.constant 256 : i32
    %add3A_178 = arith.addi %mul3A_2, %add3A_177 : i32
    %dma_start3A_179 = arith.constant 256 : i32
    %dma_start3A_180 = tpu.memref_slice %arg13[%dma_start3A_179] : memref<512xf32, #tpu.memory_space<vmem>> -> memref<128xf32, #tpu.memory_space<vmem>>
    %dma_start3A_181 = tpu.memref_slice %arg6[%add3A_178] : memref<16384xf32, #tpu.memory_space<hbm>> -> memref<128xf32, #tpu.memory_space<hbm>>
    %dma_start3A_182 = tpu.memref_slice %arg6[%add3A_178] : memref<16384xf32, #tpu.memory_space<hbm>> -> memref<128xf32, #tpu.memory_space<hbm>>
    %dma_start3A_183 = arith.constant 256 : i32
    %dma_start3A_184 = tpu.memref_slice %arg13[%dma_start3A_183] : memref<512xf32, #tpu.memory_space<vmem>> -> memref<128xf32, #tpu.memory_space<vmem>>
    tpu.enqueue_dma source(%dma_start3A_184 : memref<128xf32, #tpu.memory_space<vmem>>) target(%dma_start3A_182 : memref<128xf32, #tpu.memory_space<hbm>>) target_semaphore(%arg18 : memref<!tpu.dma_semaphore, #tpu.memory_space<semaphore_mem>>)
    %dma_wait3A_185 = arith.constant 384 : i32
    %dma_wait3A_186 = tpu.memref_slice %arg7[%dma_wait3A_185] : memref<512xi32, #tpu.memory_space<vmem>> -> memref<128xi32, #tpu.memory_space<vmem>>
    %dma_wait3A_187 = arith.constant 0 : i32
    %dma_wait3A_188 = arith.constant 0 : i32
    %dma_wait3A_189 = tpu.memref_slice %arg4[%dma_wait3A_187, %dma_wait3A_188] : memref<100000x128xf32, #tpu.memory_space<hbm>> -> memref<100000x128xf32, #tpu.memory_space<hbm>>
    tpu.wait_indirect_dma semaphore(%arg15 : memref<!tpu.dma_semaphore, #tpu.memory_space<semaphore_mem>>) src(%dma_wait3A_189 : memref<100000x128xf32, #tpu.memory_space<hbm>>) dst(%arg10 : memref<128x128xf32, #tpu.memory_space<vmem>>)
    %dma_wait3A_190 = arith.constant 384 : i32
    %dma_wait3A_191 = tpu.memref_slice %arg8[%dma_wait3A_190] : memref<512xi32, #tpu.memory_space<vmem>> -> memref<128xi32, #tpu.memory_space<vmem>>
    %dma_wait3A_192 = arith.constant 0 : i32
    %dma_wait3A_193 = arith.constant 0 : i32
    %dma_wait3A_194 = tpu.memref_slice %arg5[%dma_wait3A_192, %dma_wait3A_193] : memref<100000x128xf32, #tpu.memory_space<hbm>> -> memref<100000x128xf32, #tpu.memory_space<hbm>>
    tpu.wait_indirect_dma semaphore(%arg17 : memref<!tpu.dma_semaphore, #tpu.memory_space<semaphore_mem>>) src(%dma_wait3A_194 : memref<100000x128xf32, #tpu.memory_space<hbm>>) dst(%arg12 : memref<128x128xf32, #tpu.memory_space<vmem>>)
    %scan3A_195 = arith.constant 0 : i32
    %scan3A_196 = arith.constant 0 : i32
    %scan3A_197 = arith.constant 8 : i32
    %scan3A_198 = arith.addi %scan3A_196, %scan3A_197 : i32
    %scan3A_199 = arith.constant 1 : i32
    %scan3A_200 = scf.for %scan3A_234 = %scan3A_196 to %scan3A_198 step %scan3A_199 iter_args(%scan3A_235 = %scan3A_195) -> (i32)  : i32 {
      %mul3A_236 = arith.constant 16 : i32
      %mul3A_237 = arith.muli %scan3A_234, %mul3A_236 : i32
      %broadcast_in_dim3A = arith.constant 0.000000e+00 : f32
      %broadcast_in_dim3A_238 = vector.broadcast %broadcast_in_dim3A : f32 to vector<16xf32>
      %scan3A_239 = arith.constant 0 : i32
      %scan3A_240 = arith.constant 16 : i32
      %scan3A_241 = arith.addi %scan3A_239, %scan3A_240 : i32
      %scan3A_242 = arith.constant 1 : i32
      %scan3A_243 = scf.for %scan3A_258 = %scan3A_239 to %scan3A_241 step %scan3A_242 iter_args(%scan3A_259 = %broadcast_in_dim3A_238) -> (vector<16xf32>)  : i32 {
        %add3A_260 = arith.addi %mul3A_237, %scan3A_258 : i32
        %get3A = arith.index_cast %add3A_260 : i32 to index
        %get3A_261 = arith.constant 0 : index
        %get3A_262 = tpu.vector_load %arg10[%get3A, %get3A_261] {strides = array<i32>} : memref<128x128xf32, #tpu.memory_space<vmem>>, vector<1x16xf32>,
        %get3A_263 = vector.shape_cast %get3A_262 : vector<1x16xf32> to vector<16xf32>
        %get3A_264 = arith.index_cast %add3A_260 : i32 to index
        %get3A_265 = arith.constant 0 : index
        %get3A_266 = tpu.vector_load %arg12[%get3A_264, %get3A_265] {strides = array<i32>} : memref<128x128xf32, #tpu.memory_space<vmem>>, vector<1x16xf32>,
        %get3A_267 = vector.shape_cast %get3A_266 : vector<1x16xf32> to vector<16xf32>
        %mul3A_268 = arith.mulf %get3A_263, %get3A_267 : vector<16xf32>
        %get3A_269 = arith.index_cast %add3A_260 : i32 to index
        %get3A_270 = arith.constant 16 : index
        %get3A_271 = tpu.vector_load %arg10[%get3A_269, %get3A_270] {strides = array<i32>} : memref<128x128xf32, #tpu.memory_space<vmem>>, vector<1x16xf32>,
        %get3A_272 = vector.shape_cast %get3A_271 : vector<1x16xf32> to vector<16xf32>
        %get3A_273 = arith.index_cast %add3A_260 : i32 to index
        %get3A_274 = arith.constant 16 : index
        %get3A_275 = tpu.vector_load %arg12[%get3A_273, %get3A_274] {strides = array<i32>} : memref<128x128xf32, #tpu.memory_space<vmem>>, vector<1x16xf32>,
        %get3A_276 = vector.shape_cast %get3A_275 : vector<1x16xf32> to vector<16xf32>
        %mul3A_277 = arith.mulf %get3A_272, %get3A_276 : vector<16xf32>
        %get3A_278 = arith.index_cast %add3A_260 : i32 to index
        %get3A_279 = arith.constant 32 : index
        %get3A_280 = tpu.vector_load %arg10[%get3A_278, %get3A_279] {strides = array<i32>} : memref<128x128xf32, #tpu.memory_space<vmem>>, vector<1x16xf32>,
        %get3A_281 = vector.shape_cast %get3A_280 : vector<1x16xf32> to vector<16xf32>
        %get3A_282 = arith.index_cast %add3A_260 : i32 to index
        %get3A_283 = arith.constant 32 : index
        %get3A_284 = tpu.vector_load %arg12[%get3A_282, %get3A_283] {strides = array<i32>} : memref<128x128xf32, #tpu.memory_space<vmem>>, vector<1x16xf32>,
        %get3A_285 = vector.shape_cast %get3A_284 : vector<1x16xf32> to vector<16xf32>
        %mul3A_286 = arith.mulf %get3A_281, %get3A_285 : vector<16xf32>
        %get3A_287 = arith.index_cast %add3A_260 : i32 to index
        %get3A_288 = arith.constant 48 : index
        %get3A_289 = tpu.vector_load %arg10[%get3A_287, %get3A_288] {strides = array<i32>} : memref<128x128xf32, #tpu.memory_space<vmem>>, vector<1x16xf32>,
        %get3A_290 = vector.shape_cast %get3A_289 : vector<1x16xf32> to vector<16xf32>
        %get3A_291 = arith.index_cast %add3A_260 : i32 to index
        %get3A_292 = arith.constant 48 : index
        %get3A_293 = tpu.vector_load %arg12[%get3A_291, %get3A_292] {strides = array<i32>} : memref<128x128xf32, #tpu.memory_space<vmem>>, vector<1x16xf32>,
        %get3A_294 = vector.shape_cast %get3A_293 : vector<1x16xf32> to vector<16xf32>
        %mul3A_295 = arith.mulf %get3A_290, %get3A_294 : vector<16xf32>
        %get3A_296 = arith.index_cast %add3A_260 : i32 to index
        %get3A_297 = arith.constant 64 : index
        %get3A_298 = tpu.vector_load %arg10[%get3A_296, %get3A_297] {strides = array<i32>} : memref<128x128xf32, #tpu.memory_space<vmem>>, vector<1x16xf32>,
        %get3A_299 = vector.shape_cast %get3A_298 : vector<1x16xf32> to vector<16xf32>
        %get3A_300 = arith.index_cast %add3A_260 : i32 to index
        %get3A_301 = arith.constant 64 : index
        %get3A_302 = tpu.vector_load %arg12[%get3A_300, %get3A_301] {strides = array<i32>} : memref<128x128xf32, #tpu.memory_space<vmem>>, vector<1x16xf32>,
        %get3A_303 = vector.shape_cast %get3A_302 : vector<1x16xf32> to vector<16xf32>
        %mul3A_304 = arith.mulf %get3A_299, %get3A_303 : vector<16xf32>
        %get3A_305 = arith.index_cast %add3A_260 : i32 to index
        %get3A_306 = arith.constant 80 : index
        %get3A_307 = tpu.vector_load %arg10[%get3A_305, %get3A_306] {strides = array<i32>} : memref<128x128xf32, #tpu.memory_space<vmem>>, vector<1x16xf32>,
        %get3A_308 = vector.shape_cast %get3A_307 : vector<1x16xf32> to vector<16xf32>
        %get3A_309 = arith.index_cast %add3A_260 : i32 to index
        %get3A_310 = arith.constant 80 : index
        %get3A_311 = tpu.vector_load %arg12[%get3A_309, %get3A_310] {strides = array<i32>} : memref<128x128xf32, #tpu.memory_space<vmem>>, vector<1x16xf32>,
        %get3A_312 = vector.shape_cast %get3A_311 : vector<1x16xf32> to vector<16xf32>
        %mul3A_313 = arith.mulf %get3A_308, %get3A_312 : vector<16xf32>
        %get3A_314 = arith.index_cast %add3A_260 : i32 to index
        %get3A_315 = arith.constant 96 : index
        %get3A_316 = tpu.vector_load %arg10[%get3A_314, %get3A_315] {strides = array<i32>} : memref<128x128xf32, #tpu.memory_space<vmem>>, vector<1x16xf32>,
        %get3A_317 = vector.shape_cast %get3A_316 : vector<1x16xf32> to vector<16xf32>
        %get3A_318 = arith.index_cast %add3A_260 : i32 to index
        %get3A_319 = arith.constant 96 : index
        %get3A_320 = tpu.vector_load %arg12[%get3A_318, %get3A_319] {strides = array<i32>} : memref<128x128xf32, #tpu.memory_space<vmem>>, vector<1x16xf32>,
        %get3A_321 = vector.shape_cast %get3A_320 : vector<1x16xf32> to vector<16xf32>
        %mul3A_322 = arith.mulf %get3A_317, %get3A_321 : vector<16xf32>
        %get3A_323 = arith.index_cast %add3A_260 : i32 to index
        %get3A_324 = arith.constant 112 : index
        %get3A_325 = tpu.vector_load %arg10[%get3A_323, %get3A_324] {strides = array<i32>} : memref<128x128xf32, #tpu.memory_space<vmem>>, vector<1x16xf32>,
        %get3A_326 = vector.shape_cast %get3A_325 : vector<1x16xf32> to vector<16xf32>
        %get3A_327 = arith.index_cast %add3A_260 : i32 to index
        %get3A_328 = arith.constant 112 : index
        %get3A_329 = tpu.vector_load %arg12[%get3A_327, %get3A_328] {strides = array<i32>} : memref<128x128xf32, #tpu.memory_space<vmem>>, vector<1x16xf32>,
        %get3A_330 = vector.shape_cast %get3A_329 : vector<1x16xf32> to vector<16xf32>
        %mul3A_331 = arith.mulf %get3A_326, %get3A_330 : vector<16xf32>
        %add3A_332 = arith.addf %mul3A_268, %mul3A_277 : vector<16xf32>
        %add3A_333 = arith.addf %mul3A_286, %mul3A_295 : vector<16xf32>
        %add3A_334 = arith.addf %mul3A_304, %mul3A_313 : vector<16xf32>
        %add3A_335 = arith.addf %mul3A_322, %mul3A_331 : vector<16xf32>
        %add3A_336 = arith.addf %add3A_332, %add3A_333 : vector<16xf32>
        %add3A_337 = arith.addf %add3A_334, %add3A_335 : vector<16xf32>
        %add3A_338 = arith.addf %add3A_336, %add3A_337 : vector<16xf32>
        %lt3A = arith.constant 0 : i32
        %lt3A_339 = vector.broadcast %lt3A : i32 to vector<16xi32>
        %lt3A_340 = arith.cmpi slt, %xor3A_10, %lt3A_339 : vector<16xi32>
        %add3A_341 = arith.constant 16 : i32
        %add3A_342 = vector.broadcast %add3A_341 : i32 to vector<16xi32>
        %add3A_343 = arith.addi %xor3A_10, %add3A_342 : vector<16xi32>
        %select_n3A = arith.select %lt3A_340, %add3A_343, %xor3A_10 : vector<16xi1>, vector<16xi32>
        %broadcast_in_dim3A_344 = vector.shape_cast %select_n3A : vector<16xi32> to vector<16x1xi32>
        %gather3A = vector.shape_cast %broadcast_in_dim3A_344 : vector<16x1xi32> to vector<16xi32>
        %gather3A_345 = tpu.dynamic_gather %add3A_338[%gather3A] in [0] : vector<16xf32>, vector<16xi32> -> vector<16xf32>
        %add3A_346 = arith.addf %add3A_338, %gather3A_345 : vector<16xf32>
        %lt3A_347 = arith.constant 0 : i32
        %lt3A_348 = vector.broadcast %lt3A_347 : i32 to vector<16xi32>
        %lt3A_349 = arith.cmpi slt, %xor3A_13, %lt3A_348 : vector<16xi32>
        %add3A_350 = arith.constant 16 : i32
        %add3A_351 = vector.broadcast %add3A_350 : i32 to vector<16xi32>
        %add3A_352 = arith.addi %xor3A_13, %add3A_351 : vector<16xi32>
        %select_n3A_353 = arith.select %lt3A_349, %add3A_352, %xor3A_13 : vector<16xi1>, vector<16xi32>
        %broadcast_in_dim3A_354 = vector.shape_cast %select_n3A_353 : vector<16xi32> to vector<16x1xi32>
        %gather3A_355 = vector.shape_cast %broadcast_in_dim3A_354 : vector<16x1xi32> to vector<16xi32>
        %gather3A_356 = tpu.dynamic_gather %add3A_346[%gather3A_355] in [0] : vector<16xf32>, vector<16xi32> -> vector<16xf32>
        %add3A_357 = arith.addf %add3A_346, %gather3A_356 : vector<16xf32>
        %lt3A_358 = arith.constant 0 : i32
        %lt3A_359 = vector.broadcast %lt3A_358 : i32 to vector<16xi32>
        %lt3A_360 = arith.cmpi slt, %xor3A_16, %lt3A_359 : vector<16xi32>
        %add3A_361 = arith.constant 16 : i32
        %add3A_362 = vector.broadcast %add3A_361 : i32 to vector<16xi32>
        %add3A_363 = arith.addi %xor3A_16, %add3A_362 : vector<16xi32>
        %select_n3A_364 = arith.select %lt3A_360, %add3A_363, %xor3A_16 : vector<16xi1>, vector<16xi32>
        %broadcast_in_dim3A_365 = vector.shape_cast %select_n3A_364 : vector<16xi32> to vector<16x1xi32>
        %gather3A_366 = vector.shape_cast %broadcast_in_dim3A_365 : vector<16x1xi32> to vector<16xi32>
        %gather3A_367 = tpu.dynamic_gather %add3A_357[%gather3A_366] in [0] : vector<16xf32>, vector<16xi32> -> vector<16xf32>
        %add3A_368 = arith.addf %add3A_357, %gather3A_367 : vector<16xf32>
        %lt3A_369 = arith.constant 0 : i32
        %lt3A_370 = vector.broadcast %lt3A_369 : i32 to vector<16xi32>
        %lt3A_371 = arith.cmpi slt, %xor3A_19, %lt3A_370 : vector<16xi32>
        %add3A_372 = arith.constant 16 : i32
        %add3A_373 = vector.broadcast %add3A_372 : i32 to vector<16xi32>
        %add3A_374 = arith.addi %xor3A_19, %add3A_373 : vector<16xi32>
        %select_n3A_375 = arith.select %lt3A_371, %add3A_374, %xor3A_19 : vector<16xi1>, vector<16xi32>
        %broadcast_in_dim3A_376 = vector.shape_cast %select_n3A_375 : vector<16xi32> to vector<16x1xi32>
        %gather3A_377 = vector.shape_cast %broadcast_in_dim3A_376 : vector<16x1xi32> to vector<16xi32>
        %gather3A_378 = tpu.dynamic_gather %add3A_368[%gather3A_377] in [0] : vector<16xf32>, vector<16xi32> -> vector<16xf32>
        %add3A_379 = arith.addf %add3A_368, %gather3A_378 : vector<16xf32>
        %eq3A = vector.broadcast %scan3A_258 : i32 to vector<16xi32>
        %eq3A_380 = arith.cmpi eq, %iota3A, %eq3A : vector<16xi32>
        %select_n3A_381 = arith.select %eq3A_380, %add3A_379, %scan3A_259 : vector<16xi1>, vector<16xf32>
        scf.yield %select_n3A_381 : vector<16xf32>
      }
      %scan3A_244 = arith.constant 16 : i32
      %neg3A = arith.constant 0.000000e+00 : f32
      %neg3A_245 = vector.broadcast %neg3A : f32 to vector<16xf32>
      %neg3A_246 = arith.subf %neg3A_245, %scan3A_243 : vector<16xf32>
      %exp3A = math.exp %neg3A_246 : vector<16xf32>
      %add3A_247 = arith.constant 1.000000e+00 : f32
      %add3A_248 = vector.broadcast %add3A_247 : f32 to vector<16xf32>
      %add3A_249 = arith.addf %add3A_248, %exp3A : vector<16xf32>
      %div3A = arith.constant 1.000000e+00 : f32
      %div3A_250 = vector.broadcast %div3A : f32 to vector<16xf32>
      %div3A_251 = arith.divf %div3A_250, %add3A_249 : vector<16xf32>
      %add3A_252 = arith.constant 384 : i32
      %add3A_253 = arith.addi %add3A_252, %mul3A_237 : i32
      %swap3A = arith.index_cast %add3A_253 : i32 to index
      %swap3A_254 = tpu.vector_load %arg13[%swap3A] {strides = array<i32>} : memref<512xf32, #tpu.memory_space<vmem>>, vector<16xf32>,
      %swap3A_255 = vector.shape_cast %swap3A_254 : vector<16xf32> to vector<16xf32>
      %swap3A_256 = vector.shape_cast %div3A_251 : vector<16xf32> to vector<16xf32>
      tpu.vector_store %arg13[%swap3A], %swap3A_256 {strides = array<i32>} : memref<512xf32, #tpu.memory_space<vmem>>, vector<16xf32>,
      %scan3A_257 = arith.constant 0 : i32
      scf.yield %scan3A_257 : i32
    }
    %scan3A_201 = arith.constant 8 : i32
    %add3A_202 = arith.constant 384 : i32
    %add3A_203 = arith.addi %mul3A_2, %add3A_202 : i32
    %dma_start3A_204 = arith.constant 384 : i32
    %dma_start3A_205 = tpu.memref_slice %arg13[%dma_start3A_204] : memref<512xf32, #tpu.memory_space<vmem>> -> memref<128xf32, #tpu.memory_space<vmem>>
    %dma_start3A_206 = tpu.memref_slice %arg6[%add3A_203] : memref<16384xf32, #tpu.memory_space<hbm>> -> memref<128xf32, #tpu.memory_space<hbm>>
    %dma_start3A_207 = tpu.memref_slice %arg6[%add3A_203] : memref<16384xf32, #tpu.memory_space<hbm>> -> memref<128xf32, #tpu.memory_space<hbm>>
    %dma_start3A_208 = arith.constant 384 : i32
    %dma_start3A_209 = tpu.memref_slice %arg13[%dma_start3A_208] : memref<512xf32, #tpu.memory_space<vmem>> -> memref<128xf32, #tpu.memory_space<vmem>>
    tpu.enqueue_dma source(%dma_start3A_209 : memref<128xf32, #tpu.memory_space<vmem>>) target(%dma_start3A_207 : memref<128xf32, #tpu.memory_space<hbm>>) target_semaphore(%arg18 : memref<!tpu.dma_semaphore, #tpu.memory_space<semaphore_mem>>)
    %dma_wait3A_210 = arith.constant 0 : i32
    %dma_wait3A_211 = tpu.memref_slice %arg13[%dma_wait3A_210] : memref<512xf32, #tpu.memory_space<vmem>> -> memref<128xf32, #tpu.memory_space<vmem>>
    %dma_wait3A_212 = tpu.memref_slice %arg6[%add3A_108] : memref<16384xf32, #tpu.memory_space<hbm>> -> memref<128xf32, #tpu.memory_space<hbm>>
    %dma_wait3A_213 = tpu.memref_slice %arg6[%add3A_108] : memref<16384xf32, #tpu.memory_space<hbm>> -> memref<128xf32, #tpu.memory_space<hbm>>
    %dma_wait3A_214 = arith.constant 0 : i32
    %dma_wait3A_215 = tpu.memref_slice %arg13[%dma_wait3A_214] : memref<512xf32, #tpu.memory_space<vmem>> -> memref<128xf32, #tpu.memory_space<vmem>>
    tpu.wait_dma2 semaphore(%arg18 : memref<!tpu.dma_semaphore, #tpu.memory_space<semaphore_mem>>) src(%dma_wait3A_215 : memref<128xf32, #tpu.memory_space<vmem>>) dst(%dma_wait3A_213 : memref<128xf32, #tpu.memory_space<hbm>>)
    %dma_wait3A_216 = arith.constant 128 : i32
    %dma_wait3A_217 = tpu.memref_slice %arg13[%dma_wait3A_216] : memref<512xf32, #tpu.memory_space<vmem>> -> memref<128xf32, #tpu.memory_space<vmem>>
    %dma_wait3A_218 = tpu.memref_slice %arg6[%add3A_143] : memref<16384xf32, #tpu.memory_space<hbm>> -> memref<128xf32, #tpu.memory_space<hbm>>
    %dma_wait3A_219 = tpu.memref_slice %arg6[%add3A_143] : memref<16384xf32, #tpu.memory_space<hbm>> -> memref<128xf32, #tpu.memory_space<hbm>>
    %dma_wait3A_220 = arith.constant 128 : i32
    %dma_wait3A_221 = tpu.memref_slice %arg13[%dma_wait3A_220] : memref<512xf32, #tpu.memory_space<vmem>> -> memref<128xf32, #tpu.memory_space<vmem>>
    tpu.wait_dma2 semaphore(%arg18 : memref<!tpu.dma_semaphore, #tpu.memory_space<semaphore_mem>>) src(%dma_wait3A_221 : memref<128xf32, #tpu.memory_space<vmem>>) dst(%dma_wait3A_219 : memref<128xf32, #tpu.memory_space<hbm>>)
    %dma_wait3A_222 = arith.constant 256 : i32
    %dma_wait3A_223 = tpu.memref_slice %arg13[%dma_wait3A_222] : memref<512xf32, #tpu.memory_space<vmem>> -> memref<128xf32, #tpu.memory_space<vmem>>
    %dma_wait3A_224 = tpu.memref_slice %arg6[%add3A_178] : memref<16384xf32, #tpu.memory_space<hbm>> -> memref<128xf32, #tpu.memory_space<hbm>>
    %dma_wait3A_225 = tpu.memref_slice %arg6[%add3A_178] : memref<16384xf32, #tpu.memory_space<hbm>> -> memref<128xf32, #tpu.memory_space<hbm>>
    %dma_wait3A_226 = arith.constant 256 : i32
    %dma_wait3A_227 = tpu.memref_slice %arg13[%dma_wait3A_226] : memref<512xf32, #tpu.memory_space<vmem>> -> memref<128xf32, #tpu.memory_space<vmem>>
    tpu.wait_dma2 semaphore(%arg18 : memref<!tpu.dma_semaphore, #tpu.memory_space<semaphore_mem>>) src(%dma_wait3A_227 : memref<128xf32, #tpu.memory_space<vmem>>) dst(%dma_wait3A_225 : memref<128xf32, #tpu.memory_space<hbm>>)
    %dma_wait3A_228 = arith.constant 384 : i32
    %dma_wait3A_229 = tpu.memref_slice %arg13[%dma_wait3A_228] : memref<512xf32, #tpu.memory_space<vmem>> -> memref<128xf32, #tpu.memory_space<vmem>>
    %dma_wait3A_230 = tpu.memref_slice %arg6[%add3A_203] : memref<16384xf32, #tpu.memory_space<hbm>> -> memref<128xf32, #tpu.memory_space<hbm>>
    %dma_wait3A_231 = tpu.memref_slice %arg6[%add3A_203] : memref<16384xf32, #tpu.memory_space<hbm>> -> memref<128xf32, #tpu.memory_space<hbm>>
    %dma_wait3A_232 = arith.constant 384 : i32
    %dma_wait3A_233 = tpu.memref_slice %arg13[%dma_wait3A_232] : memref<512xf32, #tpu.memory_space<vmem>> -> memref<128xf32, #tpu.memory_space<vmem>>
    tpu.wait_dma2 semaphore(%arg18 : memref<!tpu.dma_semaphore, #tpu.memory_space<semaphore_mem>>) src(%dma_wait3A_233 : memref<128xf32, #tpu.memory_space<vmem>>) dst(%dma_wait3A_231 : memref<128xf32, #tpu.memory_space<hbm>>)
    return
  }
}

</mosaic_0001>

<sc_bundles>
// kernel: kernel.3.cloned.1.call-start
scs
__scs_entry_jumppad:
0x0: {  	(pc) =	sbr.rel $0x88, $3  }
0x1: {  	(tag) =	ssettag $0x0;
	lr =	simm.s32 $0x1  }
0x2: {  	[smem:$0x3F9E] =	sst lr;
	_ =	strace $0xD0000000  }
0x3: {  	_ = 	snop  }
0x4: {  	_ = 	snop  }
0x5: {  	_ = 	snop  }
0x6: {  	_ = 	snop  }
0x7: {  	_ = 	snop  }
__scs_overlays_trampoline_lowered:
0x8: {  	[smem:$0x3FAD] =	sst s0  }
0x9: {  	[smem:$0x3FAE] =	sst s1  }
0xa: {  	[smem:$0x3FAF] =	sst s2  }
0xb: {  	[smem:$0x3FB0] =	sst s3  }
0xc: {  	[smem:$0x3FB1] =	sst s4  }
0xd: {  	[smem:$0x3FB2] =	sst s5  }
0xe: {  	[smem:$0x3FB3] =	sst s6  }
0xf: {  	[smem:$0x3FB4] =	sst s7  }
0x10: {  	[smem:$0x3FB5] =	sst s8  }
0x11: {  	[smem:$0x3FB6] =	sst s9;
	s0 =	simm.s32 @!p0 $0x0  }
0x12: {  	s1 =	sld [smem:$0x3F9C];
	s0 =	simm.s32 @p0 $0x1  }
0x13: {  	[smem:$0x3FB7] =	sst s0;
	s0 =	simm.s32 @!p1 $0x0  }
0x14: {  	s2 =	sld [smem:$0x3F9B];
	s0 =	simm.s32 @p1 $0x1  }
0x15: {  	[smem:$0x3FB8] =	sst s0;
	s0 =	simm.s32 @!p2 $0x0  }
0x16: {  	s3 =	sld [smem:$0x3FDB];
	s0 =	simm.s32 @p2 $0x1  }
0x17: {  	s4 =	simm.s32 $0x1BF5;
	[smem:$0x3FBA] =	sst s0  }
0x18: {  	s0 =	sld [smem:$0x3F9D];
	_ =	swait.ge [sflag:s4], $0x0  }
0x19: {  	s7 =	sld [smem:$0x3F9E]  }
0x1a: {  	s8 =	sadd.s32 $0xFFFFE003, lr  }
0x1b: {  	s9 =	sadd.s32 $0xFFFFFEF7, lr;
	s5 =	simm.s32 $0xFFFFFFFF;
	p2 =	slt.u32 s8, $0xFFFFF086  }
0x1c: {  	p1 =	slt.u32 s9, $0xF7A;
	s5 =	simm.s32 @!p2 $0x0  }
0x1d: {  	s5 =	simm.s32 @p1 $0x1;
	p0 =	seq.s32 s7, s2  }
0x1e: {  	s7 =	smul.u32 @!p0 $0xF7A, s2;
	p2 =	seq.s32 @!p0 s5, $0x0  }
0x1f: {  	s9 =	smul.u32 $0xF7A, s1;
	s8 =	simm.s32 @!p0 $0x1BF5;
	p2 =	por !p2, p0  }
0x20: {  	[sflag:s8] =	ssyncset.s32 @!p0 $0xFFFFF086;
	s6 =	sadd.s32 @!p0 s3, s7;
	s7 =	simm.s32 @!p0 $0x108  }
0x21: {  	s3 =	sadd.s32 s3, s9;
	s6 =	sadd.s32 @!p0 $0x88, s6;
	s7 =	simm.s32 @p2 $0x1082  }
0x22: {  	[simem:s7], [sflag:s8] =	dma.local @!p0 [hbm:s6], $0xF7A  }
0x23: {  	s9 =	sor.u32 $0xD0000000, s2;
	s6 =	simm.s32 $0x108;
	_ =	swait.ge @!p0 [sflag:s8], $0x0  }
0x24: {  	s3 =	sadd.s32 $0x88, s3;
	s6 =	simm.s32 @!p1 $0x1082;
	[sflag:s4] =	ssyncset.s32 $0xFFFFF086  }
0x25: {  	[simem:s6], [sflag:s4] =	dma.local [hbm:s3], $0xF7A  }
0x26: {  	[smem:$0x3F9E] =	sst s1;
	(tag) =	ssettag s2;
	_ =	strace s9  }
0x27: {  	s1 =	sld [smem:$0x3FAE]  }
0x28: {  	s2 =	sld [smem:$0x3FAF]  }
0x29: {  	s4 =	sld [smem:$0x3FB1]  }
0x2a: {  	p0 =	seq.s32 s5, $0x0;
	s5 =	sld [smem:$0x3FB2]  }
0x2b: {  	s6 =	sld [smem:$0x3FB3]  }
0x2c: {  	s7 =	sld [smem:$0x3FB4]  }
0x2d: {  	s3 =	simm.s32 $0x108;
	s8 =	sld [smem:$0x3FB5]  }
0x2e: {  	s3 =	simm.s32 @!p0 $0x1082;
	s9 =	sld [smem:$0x3FB6]  }
0x2f: {  	lr =	sadd.s32 s0, s3;
	s0 =	sld [smem:$0x3FAD]  }
0x30: {  	s3 =	sld [smem:$0x3FB0]  }
0x31: {  	[smem:$0x3FB9] =	sst s10  }
0x32: {  	s10 =	sld [smem:$0x3FB7];
	_ =	sdelay $0x3  }
0x33: {  	p0 =	seq.s32 s10, $0x1;
	s10 =	sld [smem:$0x3FB9];
	_ =	sdelay $0x3  }
0x34: {  	[smem:$0x3FB9] =	sst s10  }
0x35: {  	s10 =	sld [smem:$0x3FB8];
	_ =	sdelay $0x3  }
0x36: {  	p1 =	seq.s32 s10, $0x1;
	s10 =	sld [smem:$0x3FB9];
	_ =	sdelay $0x3  }
0x37: {  	[smem:$0x3FB9] =	sst s10  }
0x38: {  	s10 =	sld [smem:$0x3FBA]  }
0x39: {  	_ = 	snop;
	(pc) =	sbr.ind lr, $3  }
0x3a: {  	_ = 	snop  }
0x3b: {  	_ = 	snop  }
0x3c: {  	p2 =	seq.s32 s10, $0x1;
	s10 =	sld [smem:$0x3FB9]  }
0x3d: {  	_ =	shalt  }
0x3e: {  	_ =	shalt  }
0x3f: {  	_ =	shalt  }
0x40: {  	_ =	shalt  }
0x41: {  	_ =	shalt  }
0x42: {  	_ =	shalt  }
0x43: {  	_ =	shalt  }
0x44: {  	_ =	shalt  }
0x45: {  	_ =	shalt  }
0x46: {  	_ =	shalt  }
0x47: {  	_ =	shalt  }
0x48: {  	_ =	shalt  }
0x49: {  	_ =	shalt  }
0x4a: {  	_ =	shalt  }
0x4b: {  	_ =	shalt  }
0x4c: {  	_ =	shalt  }
0x4d: {  	_ =	shalt  }
0x4e: {  	_ =	shalt  }
0x4f: {  	_ =	shalt  }
0x50: {  	_ =	shalt  }
0x51: {  	_ =	shalt  }
0x52: {  	_ =	shalt  }
0x53: {  	_ =	shalt  }
0x54: {  	_ =	shalt  }
0x55: {  	_ =	shalt  }
0x56: {  	_ =	shalt  }
0x57: {  	_ =	shalt  }
0x58: {  	_ =	shalt  }
0x59: {  	_ =	shalt  }
0x5a: {  	_ =	shalt  }
0x5b: {  	_ =	shalt  }
0x5c: {  	_ =	shalt  }
0x5d: {  	_ =	shalt  }
0x5e: {  	_ =	shalt  }
0x5f: {  	_ =	shalt  }
0x60: {  	_ =	shalt  }
0x61: {  	_ =	shalt  }
0x62: {  	_ =	shalt  }
0x63: {  	_ =	shalt  }
0x64: {  	_ =	shalt  }
0x65: {  	_ =	shalt  }
0x66: {  	_ =	shalt  }
0x67: {  	_ =	shalt  }
0x68: {  	_ =	shalt  }
0x69: {  	_ =	shalt  }
0x6a: {  	_ =	shalt  }
0x6b: {  	_ =	shalt  }
0x6c: {  	_ =	shalt  }
0x6d: {  	_ =	shalt  }
0x6e: {  	_ =	shalt  }
0x6f: {  	_ =	shalt  }
0x70: {  	_ =	shalt  }
0x71: {  	_ =	shalt  }
0x72: {  	_ =	shalt  }
0x73: {  	_ =	shalt  }
0x74: {  	_ =	shalt  }
0x75: {  	_ =	shalt  }
0x76: {  	_ =	shalt  }
0x77: {  	_ =	shalt  }
0x78: {  	_ =	shalt  }
0x79: {  	_ =	shalt  }
0x7a: {  	_ =	shalt  }
0x7b: {  	_ =	shalt  }
0x7c: {  	_ =	shalt  }
0x7d: {  	_ =	shalt  }
0x7e: {  	_ =	shalt  }
0x7f: {  	_ =	shalt  }
0x80: {  	_ =	shalt  }
0x81: {  	_ =	shalt  }
0x82: {  	_ =	shalt  }
0x83: {  	_ =	shalt  }
0x84: {  	_ =	shalt  }
0x85: {  	_ =	shalt  }
0x86: {  	_ =	shalt  }
0x87: {  	_ =	shalt  }
.Lfunc_end0:
.L_simem_size_0:
called_computation_lowered:
.L_overlay_start_0:
0x88: {  	s2 =	sld [smem:$0x3FD9]  }
0x89: {  	s3 =	sld [smem:$0x3FFE];
	_ =	sdelay $0x1  }
0x8a: {  	s1 =	srdreg.scid  }
0x8b: {  	s0 =	sand.u32 $0x1, s1  }
0x8c: {  	s17 =	sshll.u32 s0, $0xA;
	s2 =	sadd.s32 s3, s2  }
0x8d: {  	s2 =	sadd.s32 s2, s17  }
0x8e: {  	[smem:$0x3FC5] =	sst s2  }
0x8f: {  	_ = 	snop  }
0x90: {  	s2 =	sld [smem:$0x3FC8]  }
0x91: {  	s18 =	sld [smem:$0x3FC7]  }
0x92: {  	s4 =	sld [smem:$0x3FD0];
	(tm) =	ssettm $0x1  }
0x93: {  	s5 =	sld [smem:$0x3FFB];
	_ =	sdelay $0x3  }
0x94: {  	_ =	strace s5  }
0x95: {  	s5 =	sld [smem:$0x3FFC];
	_ =	sdelay $0x3  }
0x96: {  	_ =	strace s5  }
0x97: {  	s5 =	sld [smem:$0x3FFD];
	_ =	sdelay $0x3  }
0x98: {  	_ =	strace s5  }
0x99: {  	_ =	strace $0x8FFFFFFF  }
0x9a: {  	s19 =	sld [smem:$0x3FDB];
	_ =	sdelay $0x1  }
0x9b: {  	s6 =	simm.s32 $_scs_section_size  }
0x9c: {  	s7 =	simm.s32 $_size__tile_overlayer_lowered;
	s8 =	simm.s32 $_tile_overlayer_lowered  }
0x9d: {  	s22 =	simm.s32 $0x1BFF;
	s21 =	sshll.u32 s8, $0x1;
	s5 =	sadd.s32 s6, s19  }
0x9e: {  	s9 =	simm.s32 $0x0;
	s20 =	sshll.u32 s7, $0x1;
	s7 =	sadd.s32 s21, s5  }
0x9f: {  	[timem:s9], [sflag:s22] =	dma.local [hbm:s7], s20  }
0xa0: {  	_ =	swait.ge [sflag:s22], s20  }
0xa1: {  	s6 =	ssub.s32 $0x0, s20;
	[sflag:s22] =	ssyncset.done $0x0  }
0xa2: {  	[sflag:s22] =	ssyncadd.s32 s6;
	_ =	sdelay $0x1  }
0xa3: {  	s23 =	simm.s32 $0x1B8B  }
0xa4: {  	_ =	swait.ge [sflag:s23], $0x1  }
0xa5: {  	[sflag:s23] =	ssyncset.done $0x0  }
0xa6: {  	s25 =	simm.s32 $0x1B8E;
	s24 =	sld [smem:$0x3FFE];
	[sflag:s23] =	ssyncadd.s32 $0xFFFFFFFF  }
0xa7: {  	s26 =	simm.s32 $execute0_lowered;
	[smem:$0x3FD2] =	sst s25  }
0xa8: {  	s7 =	sshll.u32 s26, $0x1;
	_ =	strace $0x80000046;
	[dreg:$0x1] =	wrdreg $0xFFFFFFFF  }
0xa9: {  	s28 =	simm.s32 $_size_execute0_lowered;
	s5 =	sadd.s32 s5, s7;
	[dreg:$0x0] =	wrdreg $0x0  }
0xaa: {  	s7 =	sshll.u32 s28, $0x1;
	[dreg:$0x2] =	wrdreg s5  }
0xab: {  	[dreg:$0x3] =	wrdreg s7  }
0xac: {  	[dreg:$0x4] =	wrdreg $0xC0  }
0xad: {  	_ =	task [dreg:s9], $0x5FFFF  }
0xae: {  	[dreg:$0x1] =	wrdreg $0xFFFFFFFF  }
0xaf: {  	[dreg:$0x0] =	wrdreg $0x60  }
0xb0: {  	[dreg:$0x2] =	wrdreg s24  }
0xb1: {  	[dreg:$0x3] =	wrdreg s2  }
0xb2: {  	[dreg:$0x4] =	wrdreg s18  }
0xb3: {  	[dreg:$0x5] =	wrdreg s4  }
0xb4: {  	[dreg:$0x6] =	wrdreg $0x9  }
0xb5: {  	_ =	task.clear_ibuf [dreg:s9], $0x7FFFF;
	_ =	strace $0x90000046  }
0xb6: {  	s29 =	simm.s32 $0x9;
	_ =	strace $0x80000048  }
0xb7: {  	_ =	swait.ge [sflag:s29], $0x1  }
0xb8: {  	[sflag:s29] =	ssyncadd.s32 $0xFFFFFFFF  }
0xb9: {  	_ =	strace $0x90000048  }
0xba: {  	_ =	sfence  }
0xbb: {  	s30 =	sld [smem:$0x0];
	_ =	sdelay $0x2  }
0xbc: {  	s31 =	sshll.u32 s1, $0xD;
	s1 =	sshrl.u32 s1, $0x2  }
0xbd: {  	s3 =	sand.u32 $0x4000, s31;
	s1 =	sadd.s32 s1, s30  }
0xbe: {  	s0 =	sor.u32 s3, s0;
	s1 =	sshll.u32 s1, $0x11  }
0xbf: {  	s0 =	sor.u32 s1, s0  }
0xc0: {  	s0 =	sadd.s32 $0x8F2B, s0  }
0xc1: {  	[sflag:s0] =	ssyncadd.remote.s32 $0x1  }
0xc2: {  	_ =	sfence.sel $0xFFFF  }
0xc3: {  	[dreg:$0x0] =	wrdreg $0xFFFFFFFF;
	(pc) =	sbr.abs _section_cstart, $3  }
0xc4: {  	[dreg:$0x1] =	wrdreg $0xFFFFFFFF  }
0xc5: {  	_ =	task.clear_ibuf [dreg:s9], $0x2FFFF;
	_ =	strace $0x9FFFFFFF  }
0xc6: {  	(tm) =	ssettm $0x7FFFFFFF  }
0xc7: {  	_ =	shalt  }
tec
execute0_lowered:
.L_overlay_start_1:
0x0: {  	(tag) =	ssettag $0x1  }
0x1: {  	s0 =	rddreg [dreg:$0x0]  }
0x2: {  	s1 =	rddreg [dreg:$0x1]  }
0x3: {  	s2 =	rddreg [dreg:$0x2]  }
0x4: {  	s3 =	rddreg [dreg:$0x3];
	s4 =	simm.s32 $0x0;
	s5 =	srdreg.scid;
	v0 =	vimm.s32 $0xFEDCBA98;
	v1 =	vimm.s32 $0x76543210  }
0x5: {  	s6 =	stileid.u32;
	v2 =	vimm.s32 $0xBA98FEDC;
	v3 =	vimm.s32 $0x32107654;
	s18 =	simm.s32 $0x4400;
	s20 =	simm.s32 $0xC400  }
0x6: {  	v4 =	vimm.s32 $0xDCFE98BA;
	s21 =	simm.s32 $0x5;
	s22 =	simm.s32 $0x40;
	s23 =	simm.s32 $0x80;
	v5 =	vimm.s32 $0x54761032;
	v6 =	vimm.s32 $0xEFCDAB89  }
0x7: {  	v7 =	vimm.s32 $0x67452301;
	s24 =	simm.s32 $0x1;
	s25 =	simm.s32 $0x3;
	s26 =	simm.s32 $0x6;
	v0 =	vunpack.c.l.s4.s8 v0;
	v1 =	vunpack.c.l.s4.s8 v1  }
0x8: {  	s28 =	simm.s32 $0x7;
	s30 =	simm.s32 $0x0;
	s5 =	sand.u32 $0x1, s5;
	v2 =	vunpack.c.l.s4.s8 v2;
	v3 =	vunpack.c.l.s4.s8 v3;
	v4 =	vunpack.c.l.s4.s8 v4  }
0x9: {  	s6 =	sshll.u32 s6, $0x7;
	v5 =	vunpack.c.l.s4.s8 v5;
	v6 =	vunpack.c.l.s4.s8 v6;
	v7 =	vunpack.c.l.s4.s8 v7;
	s7 =	sshll.u32 s5, $0x6;
	s5 =	ssub.s32 $0x2, s5  }
0xa: {  	[smem:$0x7FF] =	sst s4;
	s6 =	sor.u32 s7, s6;
	s31 =	sshrl.u32 s5, $0x1;
	v0 =	vunpack.c.0.s8.s32 v0;
	v1 =	vunpack.c.0.s8.s32 v1;
	v2 =	vunpack.c.0.s8.s32 v2  }
0xb: {  	_ =	strace $0x80000047;
	v3 =	vunpack.c.0.s8.s32 v3;
	v4 =	vunpack.c.0.s8.s32 v4;
	v5 =	vunpack.c.0.s8.s32 v5;
	s0 =	sadd.s32 s6, s0;
	s9 =	ssub.s32 s5, s31  }
0xc: {  	v6 =	vunpack.c.0.s8.s32 v6;
	v7 =	vunpack.c.0.s8.s32 v7;
	s5 =	sadd.s32 s3, s6;
	s3 =	simm.s32 $0x4;
	s6 =	sadd.s32 $0xE00, s0;
	v0 =	vand.u32 $0xF, v0  }
0xd: {  	s7 =	sadd.s32 $0x600, s0;
	s8 =	sadd.s32 $0x10, s5;
	s15 =	sadd.s32 $0x20, s5;
	v0 =	vcombine.low v0, v1;
	v1 =	vcombine.low v3, v2  }
0xe: {  	s16 =	sadd.s32 $0x30, s5;
	s17 =	smax.u32 s9, $0x1;
	s0 =	simm.s32 $0x2;
	v2 =	vcombine.low v5, v4;
	v3 =	vcombine.low v7, v6;
	v4 =	vlaneseq.u32  }
.LBB2_1:
0xf: {  	[tilespmem:s4], [sflag:$0x5] =	stream.linear.gather [hbm4b:s6+s4], $0x200, $0x38;
	[tilespmem:$0x10600] =	vst v63  }
0x10: {  	s9 =	simm.s32 $0x200  }
0x11: {  	[tilespmem:s9], [sflag:$0x5] =	stream.linear.gather [hbm4b:s7+s4], $0x200, $0x38;
	[tilespmem:$0x10600] =	vst v63  }
0x12: {  	_ =	swait.ge [sflag:s21], $0x200  }
0x13: {  	[sflag:s21] =	ssyncset.done $0x0  }
0x14: {  	[sflag:s21] =	ssyncadd.s32 $0xFFFFFE00  }
0x15: {  	_ =	swait.ge [sflag:s21], $0x200  }
0x16: {  	[sflag:s21] =	ssyncset.done $0x0  }
0x17: {  	s10 =	simm.s32 $0x400;
	[sflag:s21] =	ssyncadd.s32 $0xFFFFFE00  }
0x18: {  	[tilespmem:s10], [sflag:$0x1] =	stream.indirect.gather [hbm4b:s1+s22], $0x80, s4, s22, $0xb8;
	[tilespmem:$0x10600] =	vst v63  }
0x19: {  	s12 =	simm.s32 $0x8400  }
0x1a: {  	[tilespmem:s12], [sflag:$0x3] =	stream.indirect.gather [hbm4b:s2+s22], $0x80, s9, s22, $0xb8;
	[tilespmem:$0x10600] =	vst v63  }
0x1b: {  	s13 =	simm.s32 $0x2400  }
0x1c: {  	[tilespmem:s13], [sflag:$0x6] =	stream.indirect.gather [hbm4b:s1+s22], $0x80, s22, s22, $0xb8;
	[tilespmem:$0x10600] =	vst v63  }
0x1d: {  	s14 =	simm.s32 $0x240;
	s19 =	simm.s32 $0xA400  }
0x1e: {  	[tilespmem:s19], [sflag:$0x7] =	stream.indirect.gather [hbm4b:s2+s22], $0x80, s14, s22, $0xb8;
	[tilespmem:$0x10600] =	vst v63  }
0x1f: {  	_ = 	snop  }
0x20: {  	[tilespmem:s18], [sflag:$0x2] =	stream.indirect.gather [hbm4b:s1+s23], $0x80, s23, s23, $0xb8;
	[tilespmem:$0x10600] =	vst v63  }
0x21: {  	s29 =	simm.s32 $0x280  }
0x22: {  	[tilespmem:s20], [sflag:$0x4] =	stream.indirect.gather [hbm4b:s2+s23], $0x80, s29, s23, $0xb8;
	[tilespmem:$0x10600] =	vst v63  }
0x23: {  	_ =	swait.ge [sflag:s24], $0x2000  }
0x24: {  	[sflag:s24] =	ssyncset.done $0x0  }
0x25: {  	[sflag:s24] =	ssyncadd.s32 $0xFFFFE000  }
0x26: {  	_ =	swait.ge [sflag:s25], $0x2000  }
0x27: {  	s31 =	simm.s32 $0x440;
	[sflag:s25] =	ssyncset.done $0x0  }
0x28: {  	s12 =	simm.s32 $0x8440;
	s13 =	simm.s32 $0x0;
	[sflag:s25] =	ssyncadd.s32 $0xFFFFE000  }
.LBB2_2:
0x29: {  	v6 =	vld [tilespmem:s31+$0xFFFFFFC0]  }
0x2a: {  	v8 =	vld [tilespmem:s12+$0xFFFFFFC0]  }
0x2b: {  	v9 =	vld [tilespmem:s31+$0xFFFFFFD0]  }
0x2c: {  	v10 =	vld [tilespmem:s12+$0xFFFFFFD0]  }
0x2d: {  	v11 =	vld [tilespmem:s31+$0xFFFFFFE0]  }
0x2e: {  	v12 =	vld [tilespmem:s12+$0xFFFFFFE0]  }
0x2f: {  	v13 =	vld [tilespmem:s31+$0xFFFFFFF0]  }
0x30: {  	v14 =	vld [tilespmem:s12+$0xFFFFFFF0]  }
0x31: {  	v15 =	vld [tilespmem:s31+$0x0]  }
0x32: {  	v16 =	vld [tilespmem:s12+$0x0]  }
0x33: {  	v17 =	vld [tilespmem:s31+$0x10]  }
0x34: {  	v18 =	vld [tilespmem:s12+$0x10]  }
0x35: {  	v19 =	vld [tilespmem:s31+$0x20]  }
0x36: {  	v20 =	vld [tilespmem:s12+$0x20]  }
0x37: {  	v21 =	vld [tilespmem:s31+$0x30]  }
0x38: {  	v22 =	vld [tilespmem:s12+$0x30];
	s10 =	sadd.s32 $0x80, s31  }
0x39: {  	s19 =	sadd.s32 $0x80, s12;
	v5 =	vld [tilespmem:s10+$0xFFFFFFC0]  }
0x3a: {  	v7 =	vld [tilespmem:s19+$0xFFFFFFC0];
	v6 =	vmul.f32 v8, v6;
	v23 =	vmul.f32 v10, v9  }
0x3b: {  	v8 =	vld [tilespmem:s10+$0xFFFFFFD0];
	v12 =	vmul.f32 v12, v11;
	v13 =	vmul.f32 v14, v13  }
0x3c: {  	v9 =	vld [tilespmem:s19+$0xFFFFFFD0];
	v14 =	vmul.f32 v16, v15;
	v15 =	vmul.f32 v18, v17  }
0x3d: {  	v10 =	vld [tilespmem:s10+$0xFFFFFFE0];
	v16 =	vmul.f32 v20, v19;
	v17 =	vmul.f32 v22, v21  }
0x3e: {  	v11 =	vld [tilespmem:s19+$0xFFFFFFE0];
	v6 =	vadd.f32 v23, v6;
	v18 =	vadd.f32 v13, v12  }
0x3f: {  	v20 =	vld [tilespmem:s19+$0x20];
	v15 =	vadd.f32 v15, v14;
	v16 =	vadd.f32 v17, v16  }
0x40: {  	v21 =	vld [tilespmem:s10+$0x30]  }
0x41: {  	v12 =	vld [tilespmem:s10+$0xFFFFFFF0];
	v6 =	vadd.f32 v18, v6;
	v17 =	vadd.f32 v16, v15  }
0x42: {  	v13 =	vld [tilespmem:s19+$0xFFFFFFF0]  }
0x43: {  	v14 =	vld [tilespmem:s10+$0x0];
	v19 =	vadd.f32 v17, v6  }
0x44: {  	v16 =	vld [tilespmem:s19+$0x0]  }
0x45: {  	v15 =	vld [tilespmem:s10+$0x10];
	v22 =	vperm.xlane v19, v0  }
0x46: {  	v18 =	vld [tilespmem:s10+$0x20]  }
0x47: {  	s14 =	sshll.u32 s13, $0x4;
	s29 =	simm.s32 $0x0;
	v17 =	vld [tilespmem:s19+$0x10];
	v19 =	vadd.f32 v19, v22  }
0x48: {  	s9 =	simm.s32 $0x1;
	s11 =	simm.s32 $0x2;
	s10 =	sadd.s32 $0x80, s10;
	v6 =	vimm.f32 $0.0e+00;
	v22 =	vld [tilespmem:s19+$0x30]  }
.LBB2_3:
0x49: {  	p0 =	sne.s32 s11, $0xF;
	v23 =	vmul.f32 v7, v5;
	v5 =	vld [tilespmem:s10+$0xFFFFFFC0];
	s19 =	sadd.s32 $0x80, s19;
	v24 =	vperm.xlane v19, v1  }
0x4a: {  	v25 =	vmul.f32 v9, v8;
	v26 =	vmul.f32 v11, v10;
	v7 =	vld [tilespmem:s19+$0xFFFFFFC0]  }
0x4b: {  	v12 =	vmul.f32 v13, v12;
	v13 =	vmul.f32 v16, v14;
	v8 =	vld [tilespmem:s10+$0xFFFFFFD0];
	v14 =	vadd.f32 v19, v24  }
0x4c: {  	v15 =	vmul.f32 v17, v15;
	v16 =	vmul.f32 v20, v18;
	v9 =	vld [tilespmem:s19+$0xFFFFFFD0]  }
0x4d: {  	v18 =	vadd.f32 v25, v23;
	v10 =	vld [tilespmem:s10+$0xFFFFFFE0];
	v17 =	vmul.f32 v22, v21;
	v19 =	vperm.xlane v14, v2  }
0x4e: {  	v20 =	vadd.f32 v12, v26;
	v15 =	vadd.f32 v15, v13;
	v11 =	vld [tilespmem:s19+$0xFFFFFFE0]  }
0x4f: {  	v12 =	vld [tilespmem:s10+$0xFFFFFFF0];
	v16 =	vadd.f32 v17, v16;
	v17 =	vadd.f32 v14, v19  }
0x50: {  	v13 =	vld [tilespmem:s19+$0xFFFFFFF0]  }
0x51: {  	v18 =	vadd.f32 v20, v18;
	v14 =	vld [tilespmem:s10+$0x0];
	v19 =	vadd.f32 v16, v15;
	v20 =	vperm.xlane v17, v3  }
0x52: {  	v16 =	vld [tilespmem:s19+$0x0]  }
0x53: {  	v15 =	vld [tilespmem:s10+$0x10];
	v19 =	vadd.f32 v19, v18;
	v20 =	vadd.f32 v17, v20;
	v18 =	vmov s29;
	s29 =	smov.u32 s9;
	s9 =	smov.u32 s11  }
.Ltmp0:
0x54: {  	v17 =	vld [tilespmem:s19+$0x10];
	vm0 =	veq.s32 v18, v4;
	(pc) =	sbr.rel @p0 .LBB2_3-.Ltmp0, $4  }
0x55: {  	v18 =	vld [tilespmem:s10+$0x20];
	v22 =	vperm.xlane v19, v0;
	v6 =	vsel vm0, v20, v6  }
0x56: {  	v20 =	vld [tilespmem:s19+$0x20]  }
0x57: {  	v21 =	vld [tilespmem:s10+$0x30];
	v19 =	vadd.f32 v19, v22  }
0x58: {  	s11 =	sadd.s32 $0x1, s11;
	s10 =	sadd.s32 $0x80, s10;
	v22 =	vld [tilespmem:s19+$0x30]  }
0x59: {  	_ = 	snop  }
0x5a: {  	v5 =	vmul.f32 v7, v5;
	v7 =	vmul.f32 v9, v8  }
0x5b: {  	v51 =	vmul.f32 v11, v10;
	v52 =	vmul.f32 v13, v12  }
0x5c: {  	v53 =	vmul.f32 v16, v14;
	v54 =	vmul.f32 v17, v15  }
0x5d: {  	v55 =	vmul.f32 v20, v18;
	v56 =	vmul.f32 v22, v21  }
0x5e: {  	v5 =	vadd.f32 v7, v5;
	v7 =	vadd.f32 v52, v51  }
0x5f: {  	v57 =	vadd.f32 v54, v53;
	v58 =	vadd.f32 v56, v55;
	_ =	sdelay $0x1  }
0x60: {  	v5 =	vadd.f32 v7, v5;
	v7 =	vadd.f32 v58, v57;
	_ =	sdelay $0x1  }
0x61: {  	v5 =	vadd.f32 v7, v5;
	_ =	sdelay $0x1  }
0x62: {  	v7 =	vperm.xlane v5, v0;
	_ =	sdelay $0x1  }
0x63: {  	v5 =	vadd.f32 v5, v7  }
0x64: {  	v7 =	vperm.xlane v19, v1  }
0x65: {  	v59 =	vperm.xlane v5, v1  }
0x66: {  	v7 =	vadd.f32 v19, v7  }
0x67: {  	v5 =	vadd.f32 v5, v59  }
0x68: {  	v60 =	vperm.xlane v7, v2  }
0x69: {  	v61 =	vperm.xlane v5, v2  }
0x6a: {  	v7 =	vadd.f32 v7, v60  }
0x6b: {  	v5 =	vadd.f32 v5, v61  }
0x6c: {  	v8 =	vperm.xlane v7, v3  }
0x6d: {  	v9 =	vperm.xlane v5, v3  }
0x6e: {  	v62 =	vmov s29;
	v7 =	vadd.f32 v7, v8  }
0x6f: {  	v63 =	vmov s9;
	vm0 =	veq.s32 v62, v4;
	v5 =	vadd.f32 v5, v9  }
0x70: {  	vm15 =	veq.s32 v63, v4;
	v6 =	vsel vm0, v7, v6  }
0x71: {  	v5 =	vsel vm15, v5, v6  }
0x72: {  	v5 =	vsub.f32 $0.0e+00, v5;
	_ =	sdelay $0x1  }
0x73: {  	v5 =	vmul.f32 $1.442695020e+00, v5;
	_ =	sdelay $0x1  }
0x74: {  	(erf) = vpow2.f32 v5;
	_ =	sdelay $0x8  }
0x75: {  	v5 =	vpop (erf)  }
0x76: {  	v5 =	vadd.f32 $1.000000000e+00, v5;
	_ =	sdelay $0x1  }
0x77: {  	(erf) = vrcp.f32 v5;
	_ =	sdelay $0x3  }
0x78: {  	s13 =	sadd.s32 $0x1, s13  }
0x79: {  	p0 =	sne.s32 s13, $0x4  }
.Ltmp1:
0x7a: {  	_ = 	snop;
	(pc) =	sbr.rel @p0 .LBB2_2-.Ltmp1, $3  }
0x7b: {  	_ =	sdelay $0x1  }
0x7c: {  	v5 =	vpop (erf)  }
0x7d: {  	s31 =	sadd.s32 $0x800, s31;
	s12 =	sadd.s32 $0x800, s12;
	[tilespmem:s14+$0x10400] =	vst v5  }
0x7e: {  	_ =	swait.ge [sflag:s26], $0x2000  }
0x7f: {  	[sflag:s26] =	ssyncset.done $0x0  }
0x80: {  	[sflag:s26] =	ssyncadd.s32 $0xFFFFE000  }
0x81: {  	_ =	swait.ge [sflag:s28], $0x2000  }
0x82: {  	s31 =	simm.s32 $0x4;
	[sflag:s28] =	ssyncset.done $0x0  }
0x83: {  	s12 =	simm.s32 $0x2470;
	s13 =	simm.s32 $0xA470;
	[sflag:s28] =	ssyncadd.s32 $0xFFFFE000  }
.LBB2_6:
0x84: {  	v6 =	vld [tilespmem:s12+$0xFFFFFF90]  }
0x85: {  	v8 =	vld [tilespmem:s13+$0xFFFFFF90]  }
0x86: {  	v9 =	vld [tilespmem:s12+$0xFFFFFFA0]  }
0x87: {  	v10 =	vld [tilespmem:s13+$0xFFFFFFA0]  }
0x88: {  	v11 =	vld [tilespmem:s12+$0xFFFFFFB0]  }
0x89: {  	v12 =	vld [tilespmem:s13+$0xFFFFFFB0]  }
0x8a: {  	v13 =	vld [tilespmem:s12+$0xFFFFFFC0]  }
0x8b: {  	v14 =	vld [tilespmem:s13+$0xFFFFFFC0]  }
0x8c: {  	v15 =	vld [tilespmem:s12+$0xFFFFFFD0]  }
0x8d: {  	v16 =	vld [tilespmem:s13+$0xFFFFFFD0]  }
0x8e: {  	v17 =	vld [tilespmem:s12+$0xFFFFFFE0]  }
0x8f: {  	v18 =	vld [tilespmem:s13+$0xFFFFFFE0]  }
0x90: {  	v19 =	vld [tilespmem:s12+$0xFFFFFFF0]  }
0x91: {  	v20 =	vld [tilespmem:s13+$0xFFFFFFF0]  }
0x92: {  	v21 =	vld [tilespmem:s12+$0x0]  }
0x93: {  	v22 =	vld [tilespmem:s13+$0x0];
	s10 =	sadd.s32 $0x80, s12  }
0x94: {  	s19 =	sadd.s32 $0x80, s13;
	v5 =	vld [tilespmem:s10+$0xFFFFFF90]  }
0x95: {  	v7 =	vld [tilespmem:s19+$0xFFFFFF90];
	v6 =	vmul.f32 v8, v6;
	v23 =	vmul.f32 v10, v9  }
0x96: {  	v8 =	vld [tilespmem:s10+$0xFFFFFFA0];
	v12 =	vmul.f32 v12, v11;
	v13 =	vmul.f32 v14, v13  }
0x97: {  	v9 =	vld [tilespmem:s19+$0xFFFFFFA0];
	v14 =	vmul.f32 v16, v15;
	v15 =	vmul.f32 v18, v17  }
0x98: {  	v10 =	vld [tilespmem:s10+$0xFFFFFFB0];
	v16 =	vmul.f32 v20, v19;
	v17 =	vmul.f32 v22, v21  }
0x99: {  	v11 =	vld [tilespmem:s19+$0xFFFFFFB0];
	v6 =	vadd.f32 v23, v6;
	v18 =	vadd.f32 v13, v12  }
0x9a: {  	v20 =	vld [tilespmem:s19+$0xFFFFFFF0];
	v15 =	vadd.f32 v15, v14;
	v16 =	vadd.f32 v17, v16  }
0x9b: {  	v21 =	vld [tilespmem:s10+$0x0]  }
0x9c: {  	v12 =	vld [tilespmem:s10+$0xFFFFFFC0];
	v6 =	vadd.f32 v18, v6;
	v17 =	vadd.f32 v16, v15  }
0x9d: {  	v13 =	vld [tilespmem:s19+$0xFFFFFFC0]  }
0x9e: {  	v14 =	vld [tilespmem:s10+$0xFFFFFFD0];
	v19 =	vadd.f32 v17, v6  }
0x9f: {  	v16 =	vld [tilespmem:s19+$0xFFFFFFD0]  }
0xa0: {  	v15 =	vld [tilespmem:s10+$0xFFFFFFE0];
	v22 =	vperm.xlane v19, v0  }
0xa1: {  	v18 =	vld [tilespmem:s10+$0xFFFFFFF0]  }
0xa2: {  	s14 =	sshll.u32 s31, $0x4;
	s9 =	simm.s32 $0x0;
	v17 =	vld [tilespmem:s19+$0xFFFFFFE0];
	v19 =	vadd.f32 v19, v22  }
0xa3: {  	s29 =	simm.s32 $0x1;
	s11 =	simm.s32 $0x2;
	s10 =	sadd.s32 $0x80, s10;
	v6 =	vimm.f32 $0.0e+00;
	v22 =	vld [tilespmem:s19+$0x0]  }
.LBB2_7:
0xa4: {  	p0 =	sne.s32 s11, $0xF;
	v23 =	vmul.f32 v7, v5;
	v5 =	vld [tilespmem:s10+$0xFFFFFF90];
	s19 =	sadd.s32 $0x80, s19;
	v24 =	vperm.xlane v19, v1  }
0xa5: {  	v25 =	vmul.f32 v9, v8;
	v26 =	vmul.f32 v11, v10;
	v7 =	vld [tilespmem:s19+$0xFFFFFF90]  }
0xa6: {  	v12 =	vmul.f32 v13, v12;
	v13 =	vmul.f32 v16, v14;
	v8 =	vld [tilespmem:s10+$0xFFFFFFA0];
	v14 =	vadd.f32 v19, v24  }
0xa7: {  	v15 =	vmul.f32 v17, v15;
	v16 =	vmul.f32 v20, v18;
	v9 =	vld [tilespmem:s19+$0xFFFFFFA0]  }
0xa8: {  	v18 =	vadd.f32 v25, v23;
	v10 =	vld [tilespmem:s10+$0xFFFFFFB0];
	v17 =	vmul.f32 v22, v21;
	v19 =	vperm.xlane v14, v2  }
0xa9: {  	v20 =	vadd.f32 v12, v26;
	v15 =	vadd.f32 v15, v13;
	v11 =	vld [tilespmem:s19+$0xFFFFFFB0]  }
0xaa: {  	v12 =	vld [tilespmem:s10+$0xFFFFFFC0];
	v16 =	vadd.f32 v17, v16;
	v17 =	vadd.f32 v14, v19  }
0xab: {  	v13 =	vld [tilespmem:s19+$0xFFFFFFC0]  }
0xac: {  	v18 =	vadd.f32 v20, v18;
	v14 =	vld [tilespmem:s10+$0xFFFFFFD0];
	v19 =	vadd.f32 v16, v15;
	v20 =	vperm.xlane v17, v3  }
0xad: {  	v16 =	vld [tilespmem:s19+$0xFFFFFFD0]  }
0xae: {  	v15 =	vld [tilespmem:s10+$0xFFFFFFE0];
	v19 =	vadd.f32 v19, v18;
	v20 =	vadd.f32 v17, v20;
	v18 =	vmov s9;
	s9 =	smov.u32 s29;
	s29 =	smov.u32 s11  }
.Ltmp2:
0xaf: {  	v17 =	vld [tilespmem:s19+$0xFFFFFFE0];
	vm0 =	veq.s32 v18, v4;
	(pc) =	sbr.rel @p0 .LBB2_7-.Ltmp2, $4  }
0xb0: {  	v18 =	vld [tilespmem:s10+$0xFFFFFFF0];
	v22 =	vperm.xlane v19, v0;
	v6 =	vsel vm0, v20, v6  }
0xb1: {  	v20 =	vld [tilespmem:s19+$0xFFFFFFF0]  }
0xb2: {  	v21 =	vld [tilespmem:s10+$0x0];
	v19 =	vadd.f32 v19, v22  }
0xb3: {  	s11 =	sadd.s32 $0x1, s11;
	s10 =	sadd.s32 $0x80, s10;
	v22 =	vld [tilespmem:s19+$0x0]  }
0xb4: {  	_ = 	snop  }
0xb5: {  	v5 =	vmul.f32 v7, v5;
	v7 =	vmul.f32 v9, v8  }
0xb6: {  	v51 =	vmul.f32 v11, v10;
	v52 =	vmul.f32 v13, v12  }
0xb7: {  	v53 =	vmul.f32 v16, v14;
	v54 =	vmul.f32 v17, v15  }
0xb8: {  	v55 =	vmul.f32 v20, v18;
	v56 =	vmul.f32 v22, v21  }
0xb9: {  	v5 =	vadd.f32 v7, v5;
	v7 =	vadd.f32 v52, v51  }
0xba: {  	v57 =	vadd.f32 v54, v53;
	v58 =	vadd.f32 v56, v55;
	_ =	sdelay $0x1  }
0xbb: {  	v5 =	vadd.f32 v7, v5;
	v7 =	vadd.f32 v58, v57;
	_ =	sdelay $0x1  }
0xbc: {  	v5 =	vadd.f32 v7, v5;
	_ =	sdelay $0x1  }
0xbd: {  	v7 =	vperm.xlane v5, v0;
	_ =	sdelay $0x1  }
0xbe: {  	v5 =	vadd.f32 v5, v7  }
0xbf: {  	v7 =	vperm.xlane v19, v1  }
0xc0: {  	v59 =	vperm.xlane v5, v1  }
0xc1: {  	v7 =	vadd.f32 v19, v7  }
0xc2: {  	v5 =	vadd.f32 v5, v59  }
0xc3: {  	v60 =	vperm.xlane v7, v2  }
0xc4: {  	v61 =	vperm.xlane v5, v2  }
0xc5: {  	v7 =	vadd.f32 v7, v60  }
0xc6: {  	v5 =	vadd.f32 v5, v61  }
0xc7: {  	v8 =	vperm.xlane v7, v3  }
0xc8: {  	v9 =	vperm.xlane v5, v3  }
0xc9: {  	v62 =	vmov s9;
	v7 =	vadd.f32 v7, v8  }
0xca: {  	v63 =	vmov s29;
	vm0 =	veq.s32 v62, v4;
	v5 =	vadd.f32 v5, v9  }
0xcb: {  	vm15 =	veq.s32 v63, v4;
	v6 =	vsel vm0, v7, v6  }
0xcc: {  	v5 =	vsel vm15, v5, v6  }
0xcd: {  	v5 =	vsub.f32 $0.0e+00, v5;
	_ =	sdelay $0x1  }
0xce: {  	v5 =	vmul.f32 $1.442695020e+00, v5;
	_ =	sdelay $0x1  }
0xcf: {  	(erf) = vpow2.f32 v5;
	_ =	sdelay $0x8  }
0xd0: {  	v5 =	vpop (erf)  }
0xd1: {  	v5 =	vadd.f32 $1.000000000e+00, v5;
	_ =	sdelay $0x1  }
0xd2: {  	(erf) = vrcp.f32 v5;
	_ =	sdelay $0x3  }
0xd3: {  	s31 =	sadd.s32 $0x1, s31  }
0xd4: {  	p0 =	sne.s32 s31, $0x8  }
.Ltmp3:
0xd5: {  	_ = 	snop;
	(pc) =	sbr.rel @p0 .LBB2_6-.Ltmp3, $3  }
0xd6: {  	_ =	sdelay $0x1  }
0xd7: {  	v5 =	vpop (erf)  }
0xd8: {  	s12 =	sadd.s32 $0x800, s12;
	s13 =	sadd.s32 $0x800, s13;
	[tilespmem:s14+$0x10400] =	vst v5  }
0xd9: {  	s31 =	simm.s32 $0x0;
	s9 =	simm.s32 $0x10400  }
0xda: {  	[hbm4b:s5+s31] =	stream.linear.scatter [tilespmem:s9], [sflag:$0x5], $0x80, $0x38;
	[tilespmem:$0x10600] =	vst v63  }
0xdb: {  	s14 =	simm.s32 $0x400;
	s10 =	simm.s32 $0x100  }
0xdc: {  	[tilespmem:s14], [sflag:$0x1] =	stream.indirect.gather [hbm4b:s1+s23], $0x80, s10, s23, $0xb8;
	[tilespmem:$0x10600] =	vst v63  }
0xdd: {  	s19 =	simm.s32 $0x8400;
	s29 =	simm.s32 $0x300  }
0xde: {  	[tilespmem:s19], [sflag:$0x3] =	stream.indirect.gather [hbm4b:s2+s23], $0x80, s29, s23, $0xb8;
	[tilespmem:$0x10600] =	vst v63  }
0xdf: {  	_ =	swait.ge [sflag:s0], $0x4000  }
0xe0: {  	[sflag:s0] =	ssyncset.done $0x0  }
0xe1: {  	[sflag:s0] =	ssyncadd.s32 $0xFFFFC000  }
0xe2: {  	_ =	swait.ge [sflag:s3], $0x4000  }
0xe3: {  	[sflag:s3] =	ssyncset.done $0x0  }
0xe4: {  	s12 =	simm.s32 $0x4440;
	s13 =	simm.s32 $0xC440;
	[sflag:s3] =	ssyncadd.s32 $0xFFFFC000  }
.LBB2_10:
0xe5: {  	v6 =	vld [tilespmem:s12+$0xFFFFFFC0]  }
0xe6: {  	v8 =	vld [tilespmem:s13+$0xFFFFFFC0]  }
0xe7: {  	v9 =	vld [tilespmem:s12+$0xFFFFFFD0]  }
0xe8: {  	v10 =	vld [tilespmem:s13+$0xFFFFFFD0]  }
0xe9: {  	v11 =	vld [tilespmem:s12+$0xFFFFFFE0]  }
0xea: {  	v12 =	vld [tilespmem:s13+$0xFFFFFFE0]  }
0xeb: {  	v13 =	vld [tilespmem:s12+$0xFFFFFFF0]  }
0xec: {  	v14 =	vld [tilespmem:s13+$0xFFFFFFF0]  }
0xed: {  	v15 =	vld [tilespmem:s12+$0x0]  }
0xee: {  	v16 =	vld [tilespmem:s13+$0x0]  }
0xef: {  	v17 =	vld [tilespmem:s12+$0x10]  }
0xf0: {  	v18 =	vld [tilespmem:s13+$0x10]  }
0xf1: {  	v19 =	vld [tilespmem:s12+$0x20]  }
0xf2: {  	v20 =	vld [tilespmem:s13+$0x20]  }
0xf3: {  	v21 =	vld [tilespmem:s12+$0x30]  }
0xf4: {  	v22 =	vld [tilespmem:s13+$0x30];
	s9 =	sadd.s32 $0x80, s12  }
0xf5: {  	s29 =	sadd.s32 $0x80, s13;
	v5 =	vld [tilespmem:s9+$0xFFFFFFC0]  }
0xf6: {  	v7 =	vld [tilespmem:s29+$0xFFFFFFC0];
	v6 =	vmul.f32 v8, v6;
	v23 =	vmul.f32 v10, v9  }
0xf7: {  	v8 =	vld [tilespmem:s9+$0xFFFFFFD0];
	v12 =	vmul.f32 v12, v11;
	v13 =	vmul.f32 v14, v13  }
0xf8: {  	v9 =	vld [tilespmem:s29+$0xFFFFFFD0];
	v14 =	vmul.f32 v16, v15;
	v15 =	vmul.f32 v18, v17  }
0xf9: {  	v10 =	vld [tilespmem:s9+$0xFFFFFFE0];
	v16 =	vmul.f32 v20, v19;
	v17 =	vmul.f32 v22, v21  }
0xfa: {  	v11 =	vld [tilespmem:s29+$0xFFFFFFE0];
	v6 =	vadd.f32 v23, v6;
	v18 =	vadd.f32 v13, v12  }
0xfb: {  	v20 =	vld [tilespmem:s29+$0x20];
	v15 =	vadd.f32 v15, v14;
	v16 =	vadd.f32 v17, v16  }
0xfc: {  	v21 =	vld [tilespmem:s9+$0x30]  }
0xfd: {  	v12 =	vld [tilespmem:s9+$0xFFFFFFF0];
	v6 =	vadd.f32 v18, v6;
	v17 =	vadd.f32 v16, v15  }
0xfe: {  	v13 =	vld [tilespmem:s29+$0xFFFFFFF0]  }
0xff: {  	v14 =	vld [tilespmem:s9+$0x0];
	v19 =	vadd.f32 v17, v6  }
0x100: {  	v16 =	vld [tilespmem:s29+$0x0]  }
0x101: {  	v15 =	vld [tilespmem:s9+$0x10];
	v22 =	vperm.xlane v19, v0  }
0x102: {  	v18 =	vld [tilespmem:s9+$0x20]  }
0x103: {  	s14 =	sshll.u32 s31, $0x4;
	s19 =	simm.s32 $0x1;
	v17 =	vld [tilespmem:s29+$0x10];
	v19 =	vadd.f32 v19, v22  }
0x104: {  	s11 =	simm.s32 $0x2;
	s10 =	sadd.s32 $0x80, s9;
	s9 =	simm.s32 $0x0;
	v6 =	vimm.f32 $0.0e+00;
	v22 =	vld [tilespmem:s29+$0x30]  }
.LBB2_11:
0x105: {  	p0 =	sne.s32 s11, $0xF;
	v23 =	vmul.f32 v7, v5;
	v5 =	vld [tilespmem:s10+$0xFFFFFFC0];
	s29 =	sadd.s32 $0x80, s29;
	v24 =	vperm.xlane v19, v1  }
0x106: {  	v25 =	vmul.f32 v9, v8;
	v26 =	vmul.f32 v11, v10;
	v7 =	vld [tilespmem:s29+$0xFFFFFFC0]  }
0x107: {  	v12 =	vmul.f32 v13, v12;
	v13 =	vmul.f32 v16, v14;
	v8 =	vld [tilespmem:s10+$0xFFFFFFD0];
	v14 =	vadd.f32 v19, v24  }
0x108: {  	v15 =	vmul.f32 v17, v15;
	v16 =	vmul.f32 v20, v18;
	v9 =	vld [tilespmem:s29+$0xFFFFFFD0]  }
0x109: {  	v18 =	vadd.f32 v25, v23;
	v10 =	vld [tilespmem:s10+$0xFFFFFFE0];
	v17 =	vmul.f32 v22, v21;
	v19 =	vperm.xlane v14, v2  }
0x10a: {  	v20 =	vadd.f32 v12, v26;
	v15 =	vadd.f32 v15, v13;
	v11 =	vld [tilespmem:s29+$0xFFFFFFE0]  }
0x10b: {  	v12 =	vld [tilespmem:s10+$0xFFFFFFF0];
	v16 =	vadd.f32 v17, v16;
	v17 =	vadd.f32 v14, v19  }
0x10c: {  	v13 =	vld [tilespmem:s29+$0xFFFFFFF0]  }
0x10d: {  	v18 =	vadd.f32 v20, v18;
	v14 =	vld [tilespmem:s10+$0x0];
	v19 =	vadd.f32 v16, v15;
	v20 =	vperm.xlane v17, v3  }
0x10e: {  	v16 =	vld [tilespmem:s29+$0x0]  }
0x10f: {  	v15 =	vld [tilespmem:s10+$0x10];
	v19 =	vadd.f32 v19, v18;
	v20 =	vadd.f32 v17, v20;
	v18 =	vmov s9;
	s9 =	smov.u32 s19;
	s19 =	smov.u32 s11  }
.Ltmp4:
0x110: {  	v17 =	vld [tilespmem:s29+$0x10];
	vm0 =	veq.s32 v18, v4;
	(pc) =	sbr.rel @p0 .LBB2_11-.Ltmp4, $4  }
0x111: {  	v18 =	vld [tilespmem:s10+$0x20];
	v22 =	vperm.xlane v19, v0;
	v6 =	vsel vm0, v20, v6  }
0x112: {  	v20 =	vld [tilespmem:s29+$0x20]  }
0x113: {  	v21 =	vld [tilespmem:s10+$0x30];
	v19 =	vadd.f32 v19, v22  }
0x114: {  	s11 =	sadd.s32 $0x1, s11;
	s10 =	sadd.s32 $0x80, s10;
	v22 =	vld [tilespmem:s29+$0x30]  }
0x115: {  	_ = 	snop  }
0x116: {  	v5 =	vmul.f32 v7, v5;
	v7 =	vmul.f32 v9, v8  }
0x117: {  	v51 =	vmul.f32 v11, v10;
	v52 =	vmul.f32 v13, v12  }
0x118: {  	v53 =	vmul.f32 v16, v14;
	v54 =	vmul.f32 v17, v15  }
0x119: {  	v55 =	vmul.f32 v20, v18;
	v56 =	vmul.f32 v22, v21  }
0x11a: {  	v5 =	vadd.f32 v7, v5;
	v7 =	vadd.f32 v52, v51  }
0x11b: {  	v57 =	vadd.f32 v54, v53;
	v58 =	vadd.f32 v56, v55;
	_ =	sdelay $0x1  }
0x11c: {  	v5 =	vadd.f32 v7, v5;
	v7 =	vadd.f32 v58, v57;
	_ =	sdelay $0x1  }
0x11d: {  	v5 =	vadd.f32 v7, v5;
	_ =	sdelay $0x1  }
0x11e: {  	v7 =	vperm.xlane v5, v0;
	_ =	sdelay $0x1  }
0x11f: {  	v5 =	vadd.f32 v5, v7  }
0x120: {  	v7 =	vperm.xlane v19, v1  }
0x121: {  	v59 =	vperm.xlane v5, v1  }
0x122: {  	v7 =	vadd.f32 v19, v7  }
0x123: {  	v5 =	vadd.f32 v5, v59  }
0x124: {  	v60 =	vperm.xlane v7, v2  }
0x125: {  	v61 =	vperm.xlane v5, v2  }
0x126: {  	v7 =	vadd.f32 v7, v60  }
0x127: {  	v5 =	vadd.f32 v5, v61  }
0x128: {  	v8 =	vperm.xlane v7, v3  }
0x129: {  	v9 =	vperm.xlane v5, v3  }
0x12a: {  	v62 =	vmov s9;
	v7 =	vadd.f32 v7, v8  }
0x12b: {  	v63 =	vmov s19;
	vm0 =	veq.s32 v62, v4;
	v5 =	vadd.f32 v5, v9  }
0x12c: {  	vm15 =	veq.s32 v63, v4;
	v6 =	vsel vm0, v7, v6  }
0x12d: {  	v5 =	vsel vm15, v5, v6  }
0x12e: {  	v5 =	vsub.f32 $0.0e+00, v5;
	_ =	sdelay $0x1  }
0x12f: {  	v5 =	vmul.f32 $1.442695020e+00, v5;
	_ =	sdelay $0x1  }
0x130: {  	(erf) = vpow2.f32 v5;
	_ =	sdelay $0x8  }
0x131: {  	v5 =	vpop (erf)  }
0x132: {  	v5 =	vadd.f32 $1.000000000e+00, v5;
	_ =	sdelay $0x1  }
0x133: {  	(erf) = vrcp.f32 v5;
	_ =	sdelay $0x3  }
0x134: {  	s31 =	sadd.s32 $0x1, s31  }
0x135: {  	p0 =	sne.s32 s31, $0x8  }
.Ltmp5:
0x136: {  	_ = 	snop;
	(pc) =	sbr.rel @p0 .LBB2_10-.Ltmp5, $3  }
0x137: {  	_ =	sdelay $0x1  }
0x138: {  	v5 =	vpop (erf)  }
0x139: {  	s12 =	sadd.s32 $0x800, s12;
	s13 =	sadd.s32 $0x800, s13;
	[tilespmem:s14+$0x10480] =	vst v5  }
0x13a: {  	s31 =	simm.s32 $0x0;
	s9 =	simm.s32 $0x10480  }
0x13b: {  	[hbm4b:s8+s31] =	stream.linear.scatter [tilespmem:s9], [sflag:$0x5], $0x80, $0x38;
	[tilespmem:$0x10600] =	vst v63  }
0x13c: {  	s19 =	simm.s32 $0x180  }
0x13d: {  	[tilespmem:s18], [sflag:$0x2] =	stream.indirect.gather [hbm4b:s1+s23], $0x80, s19, s23, $0xb8;
	[tilespmem:$0x10600] =	vst v63  }
0x13e: {  	s29 =	simm.s32 $0x380  }
0x13f: {  	[tilespmem:s20], [sflag:$0x4] =	stream.indirect.gather [hbm4b:s2+s23], $0x80, s29, s23, $0xb8;
	[tilespmem:$0x10600] =	vst v63  }
0x140: {  	_ =	swait.ge [sflag:s24], $0x4000  }
0x141: {  	[sflag:s24] =	ssyncset.done $0x0  }
0x142: {  	[sflag:s24] =	ssyncadd.s32 $0xFFFFC000  }
0x143: {  	_ =	swait.ge [sflag:s25], $0x4000  }
0x144: {  	[sflag:s25] =	ssyncset.done $0x0  }
0x145: {  	s12 =	simm.s32 $0x440;
	s13 =	simm.s32 $0x8440;
	[sflag:s25] =	ssyncadd.s32 $0xFFFFC000  }
.LBB2_14:
0x146: {  	v6 =	vld [tilespmem:s12+$0xFFFFFFC0]  }
0x147: {  	v8 =	vld [tilespmem:s13+$0xFFFFFFC0]  }
0x148: {  	v9 =	vld [tilespmem:s12+$0xFFFFFFD0]  }
0x149: {  	v10 =	vld [tilespmem:s13+$0xFFFFFFD0]  }
0x14a: {  	v11 =	vld [tilespmem:s12+$0xFFFFFFE0]  }
0x14b: {  	v12 =	vld [tilespmem:s13+$0xFFFFFFE0]  }
0x14c: {  	v13 =	vld [tilespmem:s12+$0xFFFFFFF0]  }
0x14d: {  	v14 =	vld [tilespmem:s13+$0xFFFFFFF0]  }
0x14e: {  	v15 =	vld [tilespmem:s12+$0x0]  }
0x14f: {  	v16 =	vld [tilespmem:s13+$0x0]  }
0x150: {  	v17 =	vld [tilespmem:s12+$0x10]  }
0x151: {  	v18 =	vld [tilespmem:s13+$0x10]  }
0x152: {  	v19 =	vld [tilespmem:s12+$0x20]  }
0x153: {  	v20 =	vld [tilespmem:s13+$0x20]  }
0x154: {  	v21 =	vld [tilespmem:s12+$0x30]  }
0x155: {  	v22 =	vld [tilespmem:s13+$0x30];
	s9 =	sadd.s32 $0x80, s12  }
0x156: {  	s29 =	sadd.s32 $0x80, s13;
	v5 =	vld [tilespmem:s9+$0xFFFFFFC0]  }
0x157: {  	v7 =	vld [tilespmem:s29+$0xFFFFFFC0];
	v6 =	vmul.f32 v8, v6;
	v23 =	vmul.f32 v10, v9  }
0x158: {  	v8 =	vld [tilespmem:s9+$0xFFFFFFD0];
	v12 =	vmul.f32 v12, v11;
	v13 =	vmul.f32 v14, v13  }
0x159: {  	v9 =	vld [tilespmem:s29+$0xFFFFFFD0];
	v14 =	vmul.f32 v16, v15;
	v15 =	vmul.f32 v18, v17  }
0x15a: {  	v10 =	vld [tilespmem:s9+$0xFFFFFFE0];
	v16 =	vmul.f32 v20, v19;
	v17 =	vmul.f32 v22, v21  }
0x15b: {  	v11 =	vld [tilespmem:s29+$0xFFFFFFE0];
	v6 =	vadd.f32 v23, v6;
	v18 =	vadd.f32 v13, v12  }
0x15c: {  	v20 =	vld [tilespmem:s29+$0x20];
	v15 =	vadd.f32 v15, v14;
	v16 =	vadd.f32 v17, v16  }
0x15d: {  	v21 =	vld [tilespmem:s9+$0x30]  }
0x15e: {  	v12 =	vld [tilespmem:s9+$0xFFFFFFF0];
	v6 =	vadd.f32 v18, v6;
	v17 =	vadd.f32 v16, v15  }
0x15f: {  	v13 =	vld [tilespmem:s29+$0xFFFFFFF0]  }
0x160: {  	v14 =	vld [tilespmem:s9+$0x0];
	v19 =	vadd.f32 v17, v6  }
0x161: {  	v16 =	vld [tilespmem:s29+$0x0]  }
0x162: {  	v15 =	vld [tilespmem:s9+$0x10];
	v22 =	vperm.xlane v19, v0  }
0x163: {  	v18 =	vld [tilespmem:s9+$0x20]  }
0x164: {  	s14 =	sshll.u32 s31, $0x4;
	s19 =	simm.s32 $0x1;
	v17 =	vld [tilespmem:s29+$0x10];
	v19 =	vadd.f32 v19, v22  }
0x165: {  	s11 =	simm.s32 $0x2;
	s10 =	sadd.s32 $0x80, s9;
	s9 =	simm.s32 $0x0;
	v6 =	vimm.f32 $0.0e+00;
	v22 =	vld [tilespmem:s29+$0x30]  }
.LBB2_15:
0x166: {  	p0 =	sne.s32 s11, $0xF;
	v23 =	vmul.f32 v7, v5;
	v5 =	vld [tilespmem:s10+$0xFFFFFFC0];
	s29 =	sadd.s32 $0x80, s29;
	v24 =	vperm.xlane v19, v1  }
0x167: {  	v25 =	vmul.f32 v9, v8;
	v26 =	vmul.f32 v11, v10;
	v7 =	vld [tilespmem:s29+$0xFFFFFFC0]  }
0x168: {  	v12 =	vmul.f32 v13, v12;
	v13 =	vmul.f32 v16, v14;
	v8 =	vld [tilespmem:s10+$0xFFFFFFD0];
	v14 =	vadd.f32 v19, v24  }
0x169: {  	v15 =	vmul.f32 v17, v15;
	v16 =	vmul.f32 v20, v18;
	v9 =	vld [tilespmem:s29+$0xFFFFFFD0]  }
0x16a: {  	v18 =	vadd.f32 v25, v23;
	v10 =	vld [tilespmem:s10+$0xFFFFFFE0];
	v17 =	vmul.f32 v22, v21;
	v19 =	vperm.xlane v14, v2  }
0x16b: {  	v20 =	vadd.f32 v12, v26;
	v15 =	vadd.f32 v15, v13;
	v11 =	vld [tilespmem:s29+$0xFFFFFFE0]  }
0x16c: {  	v12 =	vld [tilespmem:s10+$0xFFFFFFF0];
	v16 =	vadd.f32 v17, v16;
	v17 =	vadd.f32 v14, v19  }
0x16d: {  	v13 =	vld [tilespmem:s29+$0xFFFFFFF0]  }
0x16e: {  	v18 =	vadd.f32 v20, v18;
	v14 =	vld [tilespmem:s10+$0x0];
	v19 =	vadd.f32 v16, v15;
	v20 =	vperm.xlane v17, v3  }
0x16f: {  	v16 =	vld [tilespmem:s29+$0x0]  }
0x170: {  	v15 =	vld [tilespmem:s10+$0x10];
	v19 =	vadd.f32 v19, v18;
	v20 =	vadd.f32 v17, v20;
	v18 =	vmov s9;
	s9 =	smov.u32 s19;
	s19 =	smov.u32 s11  }
.Ltmp6:
0x171: {  	v17 =	vld [tilespmem:s29+$0x10];
	vm0 =	veq.s32 v18, v4;
	(pc) =	sbr.rel @p0 .LBB2_15-.Ltmp6, $4  }
0x172: {  	v18 =	vld [tilespmem:s10+$0x20];
	v22 =	vperm.xlane v19, v0;
	v6 =	vsel vm0, v20, v6  }
0x173: {  	v20 =	vld [tilespmem:s29+$0x20]  }
0x174: {  	v21 =	vld [tilespmem:s10+$0x30];
	v19 =	vadd.f32 v19, v22  }
0x175: {  	s11 =	sadd.s32 $0x1, s11;
	s10 =	sadd.s32 $0x80, s10;
	v22 =	vld [tilespmem:s29+$0x30]  }
0x176: {  	_ = 	snop  }
0x177: {  	v5 =	vmul.f32 v7, v5;
	v7 =	vmul.f32 v9, v8  }
0x178: {  	v51 =	vmul.f32 v11, v10;
	v52 =	vmul.f32 v13, v12  }
0x179: {  	v53 =	vmul.f32 v16, v14;
	v54 =	vmul.f32 v17, v15  }
0x17a: {  	v55 =	vmul.f32 v20, v18;
	v56 =	vmul.f32 v22, v21  }
0x17b: {  	v5 =	vadd.f32 v7, v5;
	v7 =	vadd.f32 v52, v51  }
0x17c: {  	v57 =	vadd.f32 v54, v53;
	v58 =	vadd.f32 v56, v55;
	_ =	sdelay $0x1  }
0x17d: {  	v5 =	vadd.f32 v7, v5;
	v7 =	vadd.f32 v58, v57;
	_ =	sdelay $0x1  }
0x17e: {  	v5 =	vadd.f32 v7, v5;
	_ =	sdelay $0x1  }
0x17f: {  	v7 =	vperm.xlane v5, v0;
	_ =	sdelay $0x1  }
0x180: {  	v5 =	vadd.f32 v5, v7  }
0x181: {  	v7 =	vperm.xlane v19, v1  }
0x182: {  	v59 =	vperm.xlane v5, v1  }
0x183: {  	v7 =	vadd.f32 v19, v7  }
0x184: {  	v5 =	vadd.f32 v5, v59  }
0x185: {  	v60 =	vperm.xlane v7, v2  }
0x186: {  	v61 =	vperm.xlane v5, v2  }
0x187: {  	v7 =	vadd.f32 v7, v60  }
0x188: {  	v5 =	vadd.f32 v5, v61  }
0x189: {  	v8 =	vperm.xlane v7, v3  }
0x18a: {  	v9 =	vperm.xlane v5, v3  }
0x18b: {  	v62 =	vmov s9;
	v7 =	vadd.f32 v7, v8  }
0x18c: {  	v63 =	vmov s19;
	vm0 =	veq.s32 v62, v4;
	v5 =	vadd.f32 v5, v9  }
0x18d: {  	vm15 =	veq.s32 v63, v4;
	v6 =	vsel vm0, v7, v6  }
0x18e: {  	v5 =	vsel vm15, v5, v6  }
0x18f: {  	v5 =	vsub.f32 $0.0e+00, v5;
	_ =	sdelay $0x1  }
0x190: {  	v5 =	vmul.f32 $1.442695020e+00, v5;
	_ =	sdelay $0x1  }
0x191: {  	(erf) = vpow2.f32 v5;
	_ =	sdelay $0x8  }
0x192: {  	v5 =	vpop (erf)  }
0x193: {  	v5 =	vadd.f32 $1.000000000e+00, v5;
	_ =	sdelay $0x1  }
0x194: {  	(erf) = vrcp.f32 v5;
	_ =	sdelay $0x3  }
0x195: {  	s31 =	sadd.s32 $0x1, s31  }
0x196: {  	p0 =	sne.s32 s31, $0x8  }
.Ltmp7:
0x197: {  	_ = 	snop;
	(pc) =	sbr.rel @p0 .LBB2_14-.Ltmp7, $3  }
0x198: {  	_ =	sdelay $0x1  }
0x199: {  	v5 =	vpop (erf)  }
0x19a: {  	s12 =	sadd.s32 $0x800, s12;
	s13 =	sadd.s32 $0x800, s13;
	[tilespmem:s14+$0x10500] =	vst v5  }
0x19b: {  	s31 =	simm.s32 $0x0;
	s9 =	simm.s32 $0x10500  }
0x19c: {  	[hbm4b:s15+s31] =	stream.linear.scatter [tilespmem:s9], [sflag:$0x5], $0x80, $0x38;
	[tilespmem:$0x10600] =	vst v63  }
0x19d: {  	_ =	swait.ge [sflag:s0], $0x4000  }
0x19e: {  	[sflag:s0] =	ssyncset.done $0x0  }
0x19f: {  	[sflag:s0] =	ssyncadd.s32 $0xFFFFC000  }
0x1a0: {  	_ =	swait.ge [sflag:s3], $0x4000  }
0x1a1: {  	[sflag:s3] =	ssyncset.done $0x0  }
0x1a2: {  	s12 =	simm.s32 $0x4440;
	s13 =	simm.s32 $0xC440;
	[sflag:s3] =	ssyncadd.s32 $0xFFFFC000  }
.LBB2_18:
0x1a3: {  	v6 =	vld [tilespmem:s12+$0xFFFFFFC0]  }
0x1a4: {  	v8 =	vld [tilespmem:s13+$0xFFFFFFC0]  }
0x1a5: {  	v9 =	vld [tilespmem:s12+$0xFFFFFFD0]  }
0x1a6: {  	v10 =	vld [tilespmem:s13+$0xFFFFFFD0]  }
0x1a7: {  	v11 =	vld [tilespmem:s12+$0xFFFFFFE0]  }
0x1a8: {  	v12 =	vld [tilespmem:s13+$0xFFFFFFE0]  }
0x1a9: {  	v13 =	vld [tilespmem:s12+$0xFFFFFFF0]  }
0x1aa: {  	v14 =	vld [tilespmem:s13+$0xFFFFFFF0]  }
0x1ab: {  	v15 =	vld [tilespmem:s12+$0x0]  }
0x1ac: {  	v16 =	vld [tilespmem:s13+$0x0]  }
0x1ad: {  	v17 =	vld [tilespmem:s12+$0x10]  }
0x1ae: {  	v18 =	vld [tilespmem:s13+$0x10]  }
0x1af: {  	v19 =	vld [tilespmem:s12+$0x20]  }
0x1b0: {  	v20 =	vld [tilespmem:s13+$0x20]  }
0x1b1: {  	v21 =	vld [tilespmem:s12+$0x30]  }
0x1b2: {  	v22 =	vld [tilespmem:s13+$0x30];
	s9 =	sadd.s32 $0x80, s12  }
0x1b3: {  	s29 =	sadd.s32 $0x80, s13;
	v5 =	vld [tilespmem:s9+$0xFFFFFFC0]  }
0x1b4: {  	v7 =	vld [tilespmem:s29+$0xFFFFFFC0];
	v6 =	vmul.f32 v8, v6;
	v23 =	vmul.f32 v10, v9  }
0x1b5: {  	v8 =	vld [tilespmem:s9+$0xFFFFFFD0];
	v12 =	vmul.f32 v12, v11;
	v13 =	vmul.f32 v14, v13  }
0x1b6: {  	v9 =	vld [tilespmem:s29+$0xFFFFFFD0];
	v14 =	vmul.f32 v16, v15;
	v15 =	vmul.f32 v18, v17  }
0x1b7: {  	v10 =	vld [tilespmem:s9+$0xFFFFFFE0];
	v16 =	vmul.f32 v20, v19;
	v17 =	vmul.f32 v22, v21  }
0x1b8: {  	v11 =	vld [tilespmem:s29+$0xFFFFFFE0];
	v6 =	vadd.f32 v23, v6;
	v18 =	vadd.f32 v13, v12  }
0x1b9: {  	v20 =	vld [tilespmem:s29+$0x20];
	v15 =	vadd.f32 v15, v14;
	v16 =	vadd.f32 v17, v16  }
0x1ba: {  	v21 =	vld [tilespmem:s9+$0x30]  }
0x1bb: {  	v12 =	vld [tilespmem:s9+$0xFFFFFFF0];
	v6 =	vadd.f32 v18, v6;
	v17 =	vadd.f32 v16, v15  }
0x1bc: {  	v13 =	vld [tilespmem:s29+$0xFFFFFFF0]  }
0x1bd: {  	v14 =	vld [tilespmem:s9+$0x0];
	v19 =	vadd.f32 v17, v6  }
0x1be: {  	v16 =	vld [tilespmem:s29+$0x0]  }
0x1bf: {  	v15 =	vld [tilespmem:s9+$0x10];
	v22 =	vperm.xlane v19, v0  }
0x1c0: {  	v18 =	vld [tilespmem:s9+$0x20]  }
0x1c1: {  	s14 =	sshll.u32 s31, $0x4;
	s19 =	simm.s32 $0x1;
	v17 =	vld [tilespmem:s29+$0x10];
	v19 =	vadd.f32 v19, v22  }
0x1c2: {  	s11 =	simm.s32 $0x2;
	s10 =	sadd.s32 $0x80, s9;
	s9 =	simm.s32 $0x0;
	v6 =	vimm.f32 $0.0e+00;
	v22 =	vld [tilespmem:s29+$0x30]  }
.LBB2_19:
0x1c3: {  	p0 =	sne.s32 s11, $0xF;
	v23 =	vmul.f32 v7, v5;
	v5 =	vld [tilespmem:s10+$0xFFFFFFC0];
	s29 =	sadd.s32 $0x80, s29;
	v24 =	vperm.xlane v19, v1  }
0x1c4: {  	v25 =	vmul.f32 v9, v8;
	v26 =	vmul.f32 v11, v10;
	v7 =	vld [tilespmem:s29+$0xFFFFFFC0]  }
0x1c5: {  	v12 =	vmul.f32 v13, v12;
	v13 =	vmul.f32 v16, v14;
	v8 =	vld [tilespmem:s10+$0xFFFFFFD0];
	v14 =	vadd.f32 v19, v24  }
0x1c6: {  	v15 =	vmul.f32 v17, v15;
	v16 =	vmul.f32 v20, v18;
	v9 =	vld [tilespmem:s29+$0xFFFFFFD0]  }
0x1c7: {  	v18 =	vadd.f32 v25, v23;
	v10 =	vld [tilespmem:s10+$0xFFFFFFE0];
	v17 =	vmul.f32 v22, v21;
	v19 =	vperm.xlane v14, v2  }
0x1c8: {  	v20 =	vadd.f32 v12, v26;
	v15 =	vadd.f32 v15, v13;
	v11 =	vld [tilespmem:s29+$0xFFFFFFE0]  }
0x1c9: {  	v12 =	vld [tilespmem:s10+$0xFFFFFFF0];
	v16 =	vadd.f32 v17, v16;
	v17 =	vadd.f32 v14, v19  }
0x1ca: {  	v13 =	vld [tilespmem:s29+$0xFFFFFFF0]  }
0x1cb: {  	v18 =	vadd.f32 v20, v18;
	v14 =	vld [tilespmem:s10+$0x0];
	v19 =	vadd.f32 v16, v15;
	v20 =	vperm.xlane v17, v3  }
0x1cc: {  	v16 =	vld [tilespmem:s29+$0x0]  }
0x1cd: {  	v15 =	vld [tilespmem:s10+$0x10];
	v19 =	vadd.f32 v19, v18;
	v20 =	vadd.f32 v17, v20;
	v18 =	vmov s9;
	s9 =	smov.u32 s19;
	s19 =	smov.u32 s11  }
.Ltmp8:
0x1ce: {  	v17 =	vld [tilespmem:s29+$0x10];
	vm0 =	veq.s32 v18, v4;
	(pc) =	sbr.rel @p0 .LBB2_19-.Ltmp8, $4  }
0x1cf: {  	v18 =	vld [tilespmem:s10+$0x20];
	v22 =	vperm.xlane v19, v0;
	v6 =	vsel vm0, v20, v6  }
0x1d0: {  	v20 =	vld [tilespmem:s29+$0x20]  }
0x1d1: {  	v21 =	vld [tilespmem:s10+$0x30];
	v19 =	vadd.f32 v19, v22  }
0x1d2: {  	s11 =	sadd.s32 $0x1, s11;
	s10 =	sadd.s32 $0x80, s10;
	v22 =	vld [tilespmem:s29+$0x30]  }
0x1d3: {  	_ = 	snop  }
0x1d4: {  	v5 =	vmul.f32 v7, v5;
	v7 =	vmul.f32 v9, v8  }
0x1d5: {  	v51 =	vmul.f32 v11, v10;
	v52 =	vmul.f32 v13, v12  }
0x1d6: {  	v53 =	vmul.f32 v16, v14;
	v54 =	vmul.f32 v17, v15  }
0x1d7: {  	v55 =	vmul.f32 v20, v18;
	v56 =	vmul.f32 v22, v21  }
0x1d8: {  	v5 =	vadd.f32 v7, v5;
	v7 =	vadd.f32 v52, v51  }
0x1d9: {  	v57 =	vadd.f32 v54, v53;
	v58 =	vadd.f32 v56, v55;
	_ =	sdelay $0x1  }
0x1da: {  	v5 =	vadd.f32 v7, v5;
	v7 =	vadd.f32 v58, v57;
	_ =	sdelay $0x1  }
0x1db: {  	v5 =	vadd.f32 v7, v5;
	_ =	sdelay $0x1  }
0x1dc: {  	v7 =	vperm.xlane v5, v0;
	_ =	sdelay $0x1  }
0x1dd: {  	v5 =	vadd.f32 v5, v7  }
0x1de: {  	v7 =	vperm.xlane v19, v1  }
0x1df: {  	v59 =	vperm.xlane v5, v1  }
0x1e0: {  	v7 =	vadd.f32 v19, v7  }
0x1e1: {  	v5 =	vadd.f32 v5, v59  }
0x1e2: {  	v60 =	vperm.xlane v7, v2  }
0x1e3: {  	v61 =	vperm.xlane v5, v2  }
0x1e4: {  	v7 =	vadd.f32 v7, v60  }
0x1e5: {  	v5 =	vadd.f32 v5, v61  }
0x1e6: {  	v8 =	vperm.xlane v7, v3  }
0x1e7: {  	v9 =	vperm.xlane v5, v3  }
0x1e8: {  	v62 =	vmov s9;
	v7 =	vadd.f32 v7, v8  }
0x1e9: {  	v63 =	vmov s19;
	vm0 =	veq.s32 v62, v4;
	v5 =	vadd.f32 v5, v9  }
0x1ea: {  	vm15 =	veq.s32 v63, v4;
	v6 =	vsel vm0, v7, v6  }
0x1eb: {  	v5 =	vsel vm15, v5, v6  }
0x1ec: {  	v5 =	vsub.f32 $0.0e+00, v5;
	_ =	sdelay $0x1  }
0x1ed: {  	v5 =	vmul.f32 $1.442695020e+00, v5;
	_ =	sdelay $0x1  }
0x1ee: {  	(erf) = vpow2.f32 v5;
	_ =	sdelay $0x8  }
0x1ef: {  	v5 =	vpop (erf)  }
0x1f0: {  	v5 =	vadd.f32 $1.000000000e+00, v5;
	_ =	sdelay $0x1  }
0x1f1: {  	(erf) = vrcp.f32 v5;
	_ =	sdelay $0x3  }
0x1f2: {  	s31 =	sadd.s32 $0x1, s31  }
0x1f3: {  	p0 =	sne.s32 s31, $0x8  }
.Ltmp9:
0x1f4: {  	_ = 	snop;
	(pc) =	sbr.rel @p0 .LBB2_18-.Ltmp9, $3  }
0x1f5: {  	_ =	sdelay $0x1  }
0x1f6: {  	v5 =	vpop (erf)  }
0x1f7: {  	s12 =	sadd.s32 $0x800, s12;
	s13 =	sadd.s32 $0x800, s13;
	[tilespmem:s14+$0x10580] =	vst v5  }
0x1f8: {  	s9 =	simm.s32 $0x10580  }
0x1f9: {  	[hbm4b:s16+s4] =	stream.linear.scatter [tilespmem:s9], [sflag:$0x5], $0x80, $0x38;
	[tilespmem:$0x10600] =	vst v63  }
0x1fa: {  	_ =	swait.ge [sflag:s21], $0x80  }
0x1fb: {  	[sflag:s21] =	ssyncset.done $0x0  }
0x1fc: {  	[sflag:s21] =	ssyncadd.s32 $0xFFFFFF80  }
0x1fd: {  	_ =	swait.ge [sflag:s21], $0x80  }
0x1fe: {  	[sflag:s21] =	ssyncset.done $0x0  }
0x1ff: {  	s30 =	sadd.s32 $0x1, s30;
	[sflag:s21] =	ssyncadd.s32 $0xFFFFFF80  }
0x200: {  	p0 =	sne.s32 s30, s17;
	_ =	swait.ge [sflag:s21], $0x80  }
.Ltmp10:
0x201: {  	[sflag:s21] =	ssyncset.done $0x0;
	(pc) =	sbr.rel @p0 .LBB2_1-.Ltmp10, $4  }
0x202: {  	[sflag:s21] =	ssyncadd.s32 $0xFFFFFF80  }
0x203: {  	_ =	swait.ge [sflag:s21], $0x80  }
0x204: {  	[sflag:s21] =	ssyncset.done $0x0  }
0x205: {  	[sflag:s21] =	ssyncadd.s32 $0xFFFFFF80  }
0x206: {  	_ =	sfence.sel $0x180000  }
0x207: {  	[bflag:$0x0] =	sbarrier.arrive $0xFFFF  }
0x208: {  	_ =	strace $0x90000047  }
0x209: {  	s0 =	stileid.u32;
	[bflag:$0x2] =	sbarrier.arrive $0xFFFF  }
0x20a: {  	p0 =	sne.s32 s0, $0x0;
	s0 =	rddreg [dreg:$0x4]  }
0x20b: {  	s0 =	sadd.s32 @!p0 $0x100000, s0  }
0x20c: {  	[sflag:s0] =	ssyncadd.tile.s32 @!p0 $0x1;
	_ =	shalt  }
.Lfunc_end2:
_tile_overlayer_lowered:
.L_overlay_start_2:
0x20d: {  	(tag) =	ssettag $0x2  }
0x20e: {  	s0 =	rddreg [dreg:$0x0];
	s2 =	stileid.u32  }
0x20f: {  	s1 =	rddreg [dreg:$0x1];
	p0 =	sne.s32 s2, $0x0  }
0x210: {  	s3 =	rddreg [dreg:$0x2];
	[bflag:$0x3] =	sbarrier.arrive $0xFFFF;
	s2 =	simm.s32 @!p0 $0x1C08  }
0x211: {  	[timem:s3], [sflag:s2] =	dma.local @!p0 [hbm:s0], s1  }
0x212: {  	s0 =	simm.s32 @!p0 $0x8  }
0x213: {  	_ =	swait.ge @!p0 [sflag:s0], s1  }
0x214: {  	s1 =	ssub.s32 @!p0 $0x0, s1;
	[sflag:s0] =	ssyncset.done @!p0 $0x0  }
0x215: {  	[sflag:s0] =	ssyncadd.s32 @!p0 s1  }
0x216: {  	[bflag:$0x3] =	sbarrier.arrive $0xFFFF  }
0x217: {  	_ =	shalt  }

</sc_bundles>
